<compile_context>
chip_gen: v7x
topology: tpu7x:2x2x1
jax: 0.10.2.dev20260603
libtpu: 0.0.44.dev20260713+nightly
codegen_flags: <defaults>
</compile_context>

<pallas_src>
import functools
import jax
import jax.numpy as jnp
from jax import lax
from jax.experimental import pallas as pl
from jax.experimental.pallas import tpu as pltpu
from jax.experimental.pallas import tpu_sc as plsc

B_ = 1024
T_ = 50
DEPTH_ = 1000
NC_ = 2
NS_ = 16
LANES_ = 16
NW_ = NC_ * NS_
ROWS_PER_W_ = B_ // NW_
TOK_PER_W_ = ROWS_PER_W_ * T_
RB_ = 2
CTOK_ = RB_ * T_
NCHUNK_ = ROWS_PER_W_ // RB_
GROUPS_ = (CTOK_ + LANES_ - 1) // LANES_
IDX_PAD_ = 64


def _sc_body(inp_hbm, zeros_hbm, out_hbm, idx_v, buf, sem):
    wid = lax.axis_index("s") * NC_ + lax.axis_index("c")
    tok_base = wid * TOK_PER_W_
    row_base = wid * ROWS_PER_W_

    pltpu.sync_copy(
        inp_hbm.at[pl.ds(tok_base, TOK_PER_W_)], idx_v.at[pl.ds(0, TOK_PER_W_)]
    )
    pltpu.sync_copy(zeros_hbm, buf)

    zeros16 = jnp.zeros((LANES_,), jnp.float32)
    ones16 = jnp.ones((LANES_,), jnp.float32)
    lane = lax.iota(jnp.int32, LANES_)

    def stamp(c, val16):
        for g in range(GROUPS_):
            tok = lane + g * LANES_
            vals = idx_v[pl.ds(c * CTOK_ + g * LANES_, LANES_)]
            row = tok // T_
            tcol = tok - row * T_
            live = vals != 0
            if (g + 1) * LANES_ > CTOK_:
                live = live & (tok < CTOK_)
            plsc.store_scatter(buf, [row, tcol, vals], val16, mask=live)

    def chunk_body(c, _):
        stamp(c, ones16)
        pltpu.sync_copy(buf, out_hbm.at[pl.ds(row_base + c * RB_, RB_)])
        stamp(c, zeros16)
        return 0

    lax.fori_loop(0, NCHUNK_, chunk_body, 0)


def kernel(inputs):
    b, t = inputs.shape
    flat = inputs.reshape(b * t)
    zeros3d = jnp.zeros((RB_, t, DEPTH_), jnp.float32)
    mesh = plsc.VectorSubcoreMesh(core_axis_name="c", subcore_axis_name="s")
    k = functools.partial(
        pl.kernel,
        mesh=mesh,
        out_type=jax.ShapeDtypeStruct((b, t, DEPTH_), jnp.float32),
        scratch_types=[
            pltpu.VMEM((TOK_PER_W_ + IDX_PAD_,), jnp.int32),
            pltpu.VMEM((RB_, T_, DEPTH_), jnp.float32),
            pltpu.SemaphoreType.DMA,
        ],
        compiler_params=pltpu.CompilerParams(needs_layout_passes=False),
    )(_sc_body)
    return k(flat, zeros3d)

# --- scband reference (transcript-rebuilt; emitter-appended) ---
"""Pipeline reference for scband-one-hot-blank-61529701483140 (READ-ONLY COPY).

The authoritative reference and input builder live on the scoring server;
editing this copy changes nothing except your own understanding.
"""

import jax, jax.numpy as jnp
import numpy as np

BLANK = 0
DEPTH = 1000

def setup_inputs(seed: int = 0) -> dict:
    key = jax.random.key(seed)
    inputs = jax.random.randint(key, (1024, 50), 0, 1000, dtype=jnp.int32)
    return {"inputs": inputs}

def reference(inputs):
    # tf.where(tf.equal(inputs, blank), -1, inputs)
    minus_one_at_blank = jnp.where(inputs == BLANK, jnp.int32(-1), inputs)
    # tf.one_hot maps out-of-range indices (here -1) to an all-zero row, and
    # jax.nn.one_hot has the same semantics for negative / out-of-range indices.
    return jax.nn.one_hot(minus_one_at_blank, DEPTH, dtype=jnp.float32)

if __name__ == "__main__":
    import jax
    _d = setup_inputs()
    print(jax.jit(kernel)(*tuple(_d.values())))

</pallas_src>

<mosaic_0001>
#map = affine_map<(d0, d1) -> (0)>
#map1 = affine_map<(d0, d1) -> (0, 0, 0)>
module attributes {stable_mosaic.version = 14 : i64} {
  func.func @_sc_body(%arg0: i32, %arg1: i32, %arg2: memref<51200xi32, #tpu.memory_space<hbm>>, %arg3: memref<2x50x1000xf32, #tpu.memory_space<hbm>>, %arg4: memref<1024x50x1000xf32, #tpu.memory_space<hbm>>, %arg5: memref<1664xi32, #tpu.memory_space<vmem>>, %arg6: memref<2x50x1000xf32, #tpu.memory_space<vmem>>, %arg7: memref<!tpu.dma_semaphore, #tpu.memory_space<semaphore_mem>>) attributes {dimension_semantics = [#tpu.dimension_semantics<core_parallel>, #tpu.dimension_semantics<subcore_parallel>], iteration_bounds = array<i64: 2, 16>, scalar_prefetch = 0 : i64, scratch_operands = 3 : i64, tpu.core_type = #tpu.core_type<sc_vector_subcore>, window_params = [{transform_indices = #map}, {transform_indices = #map1}, {transform_indices = #map1}]} {
    %mul3A = arith.constant 2 : i32
    %mul3A_0 = arith.muli %arg1, %mul3A : i32
    %add3A = arith.addi %mul3A_0, %arg0 : i32
    %mul3A_1 = arith.constant 1600 : i32
    %mul3A_2 = arith.muli %add3A, %mul3A_1 : i32
    %mul3A_3 = arith.constant 32 : i32
    %mul3A_4 = arith.muli %add3A, %mul3A_3 : i32
    "tpu.region"() ({
      %run_scoped3A = tpu.sem_alloc : memref<!tpu.dma_semaphore, #tpu.memory_space<semaphore_mem>>
      %dma_start3A = arith.constant 0 : i32
      %dma_start3A_14 = tpu.memref_slice %arg5[%dma_start3A] : memref<1664xi32, #tpu.memory_space<vmem>> -> memref<1600xi32, #tpu.memory_space<vmem>>
      %dma_start3A_15 = tpu.memref_slice %arg2[%mul3A_2] : memref<51200xi32, #tpu.memory_space<hbm>> -> memref<1600xi32, #tpu.memory_space<hbm>>
      %dma_start3A_16 = arith.constant 0 : i32
      %dma_start3A_17 = tpu.memref_slice %arg5[%dma_start3A_16] : memref<1664xi32, #tpu.memory_space<vmem>> -> memref<1600xi32, #tpu.memory_space<vmem>>
      %dma_start3A_18 = tpu.memref_slice %arg2[%mul3A_2] : memref<51200xi32, #tpu.memory_space<hbm>> -> memref<1600xi32, #tpu.memory_space<hbm>>
      tpu.enqueue_dma source(%dma_start3A_18 : memref<1600xi32, #tpu.memory_space<hbm>>) target(%dma_start3A_17 : memref<1600xi32, #tpu.memory_space<vmem>>) target_semaphore(%run_scoped3A : memref<!tpu.dma_semaphore, #tpu.memory_space<semaphore_mem>>)
      %dma_wait3A = arith.constant 0 : i32
      %dma_wait3A_19 = tpu.memref_slice %arg5[%dma_wait3A] : memref<1664xi32, #tpu.memory_space<vmem>> -> memref<1600xi32, #tpu.memory_space<vmem>>
      %dma_wait3A_20 = tpu.memref_slice %arg2[%mul3A_2] : memref<51200xi32, #tpu.memory_space<hbm>> -> memref<1600xi32, #tpu.memory_space<hbm>>
      %dma_wait3A_21 = arith.constant 0 : i32
      %dma_wait3A_22 = tpu.memref_slice %arg5[%dma_wait3A_21] : memref<1664xi32, #tpu.memory_space<vmem>> -> memref<1600xi32, #tpu.memory_space<vmem>>
      %dma_wait3A_23 = tpu.memref_slice %arg2[%mul3A_2] : memref<51200xi32, #tpu.memory_space<hbm>> -> memref<1600xi32, #tpu.memory_space<hbm>>
      tpu.wait_dma2 semaphore(%run_scoped3A : memref<!tpu.dma_semaphore, #tpu.memory_space<semaphore_mem>>) src(%dma_wait3A_23 : memref<1600xi32, #tpu.memory_space<hbm>>) dst(%dma_wait3A_22 : memref<1600xi32, #tpu.memory_space<vmem>>)
      tpu.yield
    }) : () -> ()
    "tpu.region"() ({
      %run_scoped3A = tpu.sem_alloc : memref<!tpu.dma_semaphore, #tpu.memory_space<semaphore_mem>>
      tpu.enqueue_dma source(%arg3 : memref<2x50x1000xf32, #tpu.memory_space<hbm>>) target(%arg6 : memref<2x50x1000xf32, #tpu.memory_space<vmem>>) target_semaphore(%run_scoped3A : memref<!tpu.dma_semaphore, #tpu.memory_space<semaphore_mem>>)
      tpu.wait_dma2 semaphore(%run_scoped3A : memref<!tpu.dma_semaphore, #tpu.memory_space<semaphore_mem>>) src(%arg3 : memref<2x50x1000xf32, #tpu.memory_space<hbm>>) dst(%arg6 : memref<2x50x1000xf32, #tpu.memory_space<vmem>>)
      tpu.yield
    }) : () -> ()
    %broadcast_in_dim3A = arith.constant 0.000000e+00 : f32
    %broadcast_in_dim3A_5 = vector.broadcast %broadcast_in_dim3A : f32 to vector<16xf32>
    %broadcast_in_dim3A_6 = arith.constant 1.000000e+00 : f32
    %broadcast_in_dim3A_7 = vector.broadcast %broadcast_in_dim3A_6 : f32 to vector<16xf32>
    %iota3A = tpu.iota {dimensions = array<i32: 0>} : vector<16xi32>
    %scan3A = arith.constant 0 : i32
    %scan3A_8 = arith.constant 0 : i32
    %scan3A_9 = arith.constant 16 : i32
    %scan3A_10 = arith.addi %scan3A_8, %scan3A_9 : i32
    %scan3A_11 = arith.constant 1 : i32
    %scan3A_12 = scf.for %scan3A_14 = %scan3A_8 to %scan3A_10 step %scan3A_11 iter_args(%scan3A_15 = %scan3A) -> (i32)  : i32 {
      %add3A_16 = arith.constant 0 : i32
      %add3A_17 = vector.broadcast %add3A_16 : i32 to vector<16xi32>
      %add3A_18 = arith.addi %iota3A, %add3A_17 : vector<16xi32>
      %mul3A_19 = arith.constant 100 : i32
      %mul3A_20 = arith.muli %scan3A_14, %mul3A_19 : i32
      %add3A_21 = arith.constant 0 : i32
      %add3A_22 = arith.addi %mul3A_20, %add3A_21 : i32
      %get3A = arith.index_cast %add3A_22 : i32 to index
      %get3A_23 = tpu.vector_load %arg5[%get3A] {strides = array<i32>} : memref<1664xi32, #tpu.memory_space<vmem>>, vector<16xi32>,
      %jit3A = arith.constant 50 : i32
      %div3A = vector.broadcast %jit3A : i32 to vector<16xi32>
      %div3A_24 = arith.divsi %add3A_18, %div3A : vector<16xi32>
      %sign3A = arith.constant 0 : i32
      %sign3A_25 = vector.broadcast %sign3A : i32 to vector<16xi32>
      %sign3A_26 = arith.cmpi sgt, %add3A_18, %sign3A_25 : vector<16xi32>
      %sign3A_27 = arith.extui %sign3A_26 : vector<16xi1> to vector<16xi32>
      %sign3A_28 = arith.constant 0 : i32
      %sign3A_29 = vector.broadcast %sign3A_28 : i32 to vector<16xi32>
      %sign3A_30 = arith.cmpi slt, %add3A_18, %sign3A_29 : vector<16xi32>
      %sign3A_31 = arith.extui %sign3A_30 : vector<16xi1> to vector<16xi32>
      %sign3A_32 = arith.subi %sign3A_27, %sign3A_31 : vector<16xi32>
      %sign3A_33 = arith.constant 0 : i32
      %sign3A_34 = arith.cmpi sgt, %jit3A, %sign3A_33 : i32
      %sign3A_35 = arith.extui %sign3A_34 : i1 to i32
      %sign3A_36 = arith.constant 0 : i32
      %sign3A_37 = arith.cmpi slt, %jit3A, %sign3A_36 : i32
      %sign3A_38 = arith.extui %sign3A_37 : i1 to i32
      %sign3A_39 = arith.subi %sign3A_35, %sign3A_38 : i32
      %ne3A = vector.broadcast %sign3A_39 : i32 to vector<16xi32>
      %ne3A_40 = arith.cmpi ne, %sign3A_32, %ne3A : vector<16xi32>
      %rem3A = vector.broadcast %jit3A : i32 to vector<16xi32>
      %rem3A_41 = arith.remsi %add3A_18, %rem3A : vector<16xi32>
      %ne3A_42 = arith.constant 0 : i32
      %ne3A_43 = vector.broadcast %ne3A_42 : i32 to vector<16xi32>
      %ne3A_44 = arith.cmpi ne, %rem3A_41, %ne3A_43 : vector<16xi32>
      %and3A = arith.andi %ne3A_40, %ne3A_44 : vector<16xi1>
      %sub3A = arith.constant 1 : i32
      %sub3A_45 = vector.broadcast %sub3A : i32 to vector<16xi32>
      %sub3A_46 = arith.subi %div3A_24, %sub3A_45 : vector<16xi32>
      %select_n3A = arith.select %and3A, %sub3A_46, %div3A_24 : vector<16xi1>, vector<16xi32>
      %mul3A_47 = arith.constant 50 : i32
      %mul3A_48 = vector.broadcast %mul3A_47 : i32 to vector<16xi32>
      %mul3A_49 = arith.muli %select_n3A, %mul3A_48 : vector<16xi32>
      %sub3A_50 = arith.subi %add3A_18, %mul3A_49 : vector<16xi32>
      %ne3A_51 = arith.constant 0 : i32
      %ne3A_52 = vector.broadcast %ne3A_51 : i32 to vector<16xi32>
      %ne3A_53 = arith.cmpi ne, %get3A_23, %ne3A_52 : vector<16xi32>
      tpu.vector_store_idx %arg6[%select_n3A, %sub3A_50, %get3A_23], %broadcast_in_dim3A_7 masked %ne3A_53 : memref<2x50x1000xf32, #tpu.memory_space<vmem>>[vector<16xi32>, vector<16xi32>, vector<16xi32>], vector<16xf32>, vector<16xi1>
      %add3A_54 = arith.constant 16 : i32
      %add3A_55 = vector.broadcast %add3A_54 : i32 to vector<16xi32>
      %add3A_56 = arith.addi %iota3A, %add3A_55 : vector<16xi32>
      %mul3A_57 = arith.constant 100 : i32
      %mul3A_58 = arith.muli %scan3A_14, %mul3A_57 : i32
      %add3A_59 = arith.constant 16 : i32
      %add3A_60 = arith.addi %mul3A_58, %add3A_59 : i32
      %get3A_61 = arith.index_cast %add3A_60 : i32 to index
      %get3A_62 = tpu.vector_load %arg5[%get3A_61] {strides = array<i32>} : memref<1664xi32, #tpu.memory_space<vmem>>, vector<16xi32>,
      %jit3A_63 = arith.constant 50 : i32
      %div3A_64 = vector.broadcast %jit3A_63 : i32 to vector<16xi32>
      %div3A_65 = arith.divsi %add3A_56, %div3A_64 : vector<16xi32>
      %sign3A_66 = arith.constant 0 : i32
      %sign3A_67 = vector.broadcast %sign3A_66 : i32 to vector<16xi32>
      %sign3A_68 = arith.cmpi sgt, %add3A_56, %sign3A_67 : vector<16xi32>
      %sign3A_69 = arith.extui %sign3A_68 : vector<16xi1> to vector<16xi32>
      %sign3A_70 = arith.constant 0 : i32
      %sign3A_71 = vector.broadcast %sign3A_70 : i32 to vector<16xi32>
      %sign3A_72 = arith.cmpi slt, %add3A_56, %sign3A_71 : vector<16xi32>
      %sign3A_73 = arith.extui %sign3A_72 : vector<16xi1> to vector<16xi32>
      %sign3A_74 = arith.subi %sign3A_69, %sign3A_73 : vector<16xi32>
      %sign3A_75 = arith.constant 0 : i32
      %sign3A_76 = arith.cmpi sgt, %jit3A_63, %sign3A_75 : i32
      %sign3A_77 = arith.extui %sign3A_76 : i1 to i32
      %sign3A_78 = arith.constant 0 : i32
      %sign3A_79 = arith.cmpi slt, %jit3A_63, %sign3A_78 : i32
      %sign3A_80 = arith.extui %sign3A_79 : i1 to i32
      %sign3A_81 = arith.subi %sign3A_77, %sign3A_80 : i32
      %ne3A_82 = vector.broadcast %sign3A_81 : i32 to vector<16xi32>
      %ne3A_83 = arith.cmpi ne, %sign3A_74, %ne3A_82 : vector<16xi32>
      %rem3A_84 = vector.broadcast %jit3A_63 : i32 to vector<16xi32>
      %rem3A_85 = arith.remsi %add3A_56, %rem3A_84 : vector<16xi32>
      %ne3A_86 = arith.constant 0 : i32
      %ne3A_87 = vector.broadcast %ne3A_86 : i32 to vector<16xi32>
      %ne3A_88 = arith.cmpi ne, %rem3A_85, %ne3A_87 : vector<16xi32>
      %and3A_89 = arith.andi %ne3A_83, %ne3A_88 : vector<16xi1>
      %sub3A_90 = arith.constant 1 : i32
      %sub3A_91 = vector.broadcast %sub3A_90 : i32 to vector<16xi32>
      %sub3A_92 = arith.subi %div3A_65, %sub3A_91 : vector<16xi32>
      %select_n3A_93 = arith.select %and3A_89, %sub3A_92, %div3A_65 : vector<16xi1>, vector<16xi32>
      %mul3A_94 = arith.constant 50 : i32
      %mul3A_95 = vector.broadcast %mul3A_94 : i32 to vector<16xi32>
      %mul3A_96 = arith.muli %select_n3A_93, %mul3A_95 : vector<16xi32>
      %sub3A_97 = arith.subi %add3A_56, %mul3A_96 : vector<16xi32>
      %ne3A_98 = arith.constant 0 : i32
      %ne3A_99 = vector.broadcast %ne3A_98 : i32 to vector<16xi32>
      %ne3A_100 = arith.cmpi ne, %get3A_62, %ne3A_99 : vector<16xi32>
      tpu.vector_store_idx %arg6[%select_n3A_93, %sub3A_97, %get3A_62], %broadcast_in_dim3A_7 masked %ne3A_100 : memref<2x50x1000xf32, #tpu.memory_space<vmem>>[vector<16xi32>, vector<16xi32>, vector<16xi32>], vector<16xf32>, vector<16xi1>
      %add3A_101 = arith.constant 32 : i32
      %add3A_102 = vector.broadcast %add3A_101 : i32 to vector<16xi32>
      %add3A_103 = arith.addi %iota3A, %add3A_102 : vector<16xi32>
      %mul3A_104 = arith.constant 100 : i32
      %mul3A_105 = arith.muli %scan3A_14, %mul3A_104 : i32
      %add3A_106 = arith.constant 32 : i32
      %add3A_107 = arith.addi %mul3A_105, %add3A_106 : i32
      %get3A_108 = arith.index_cast %add3A_107 : i32 to index
      %get3A_109 = tpu.vector_load %arg5[%get3A_108] {strides = array<i32>} : memref<1664xi32, #tpu.memory_space<vmem>>, vector<16xi32>,
      %jit3A_110 = arith.constant 50 : i32
      %div3A_111 = vector.broadcast %jit3A_110 : i32 to vector<16xi32>
      %div3A_112 = arith.divsi %add3A_103, %div3A_111 : vector<16xi32>
      %sign3A_113 = arith.constant 0 : i32
      %sign3A_114 = vector.broadcast %sign3A_113 : i32 to vector<16xi32>
      %sign3A_115 = arith.cmpi sgt, %add3A_103, %sign3A_114 : vector<16xi32>
      %sign3A_116 = arith.extui %sign3A_115 : vector<16xi1> to vector<16xi32>
      %sign3A_117 = arith.constant 0 : i32
      %sign3A_118 = vector.broadcast %sign3A_117 : i32 to vector<16xi32>
      %sign3A_119 = arith.cmpi slt, %add3A_103, %sign3A_118 : vector<16xi32>
      %sign3A_120 = arith.extui %sign3A_119 : vector<16xi1> to vector<16xi32>
      %sign3A_121 = arith.subi %sign3A_116, %sign3A_120 : vector<16xi32>
      %sign3A_122 = arith.constant 0 : i32
      %sign3A_123 = arith.cmpi sgt, %jit3A_110, %sign3A_122 : i32
      %sign3A_124 = arith.extui %sign3A_123 : i1 to i32
      %sign3A_125 = arith.constant 0 : i32
      %sign3A_126 = arith.cmpi slt, %jit3A_110, %sign3A_125 : i32
      %sign3A_127 = arith.extui %sign3A_126 : i1 to i32
      %sign3A_128 = arith.subi %sign3A_124, %sign3A_127 : i32
      %ne3A_129 = vector.broadcast %sign3A_128 : i32 to vector<16xi32>
      %ne3A_130 = arith.cmpi ne, %sign3A_121, %ne3A_129 : vector<16xi32>
      %rem3A_131 = vector.broadcast %jit3A_110 : i32 to vector<16xi32>
      %rem3A_132 = arith.remsi %add3A_103, %rem3A_131 : vector<16xi32>
      %ne3A_133 = arith.constant 0 : i32
      %ne3A_134 = vector.broadcast %ne3A_133 : i32 to vector<16xi32>
      %ne3A_135 = arith.cmpi ne, %rem3A_132, %ne3A_134 : vector<16xi32>
      %and3A_136 = arith.andi %ne3A_130, %ne3A_135 : vector<16xi1>
      %sub3A_137 = arith.constant 1 : i32
      %sub3A_138 = vector.broadcast %sub3A_137 : i32 to vector<16xi32>
      %sub3A_139 = arith.subi %div3A_112, %sub3A_138 : vector<16xi32>
      %select_n3A_140 = arith.select %and3A_136, %sub3A_139, %div3A_112 : vector<16xi1>, vector<16xi32>
      %mul3A_141 = arith.constant 50 : i32
      %mul3A_142 = vector.broadcast %mul3A_141 : i32 to vector<16xi32>
      %mul3A_143 = arith.muli %select_n3A_140, %mul3A_142 : vector<16xi32>
      %sub3A_144 = arith.subi %add3A_103, %mul3A_143 : vector<16xi32>
      %ne3A_145 = arith.constant 0 : i32
      %ne3A_146 = vector.broadcast %ne3A_145 : i32 to vector<16xi32>
      %ne3A_147 = arith.cmpi ne, %get3A_109, %ne3A_146 : vector<16xi32>
      tpu.vector_store_idx %arg6[%select_n3A_140, %sub3A_144, %get3A_109], %broadcast_in_dim3A_7 masked %ne3A_147 : memref<2x50x1000xf32, #tpu.memory_space<vmem>>[vector<16xi32>, vector<16xi32>, vector<16xi32>], vector<16xf32>, vector<16xi1>
      %add3A_148 = arith.constant 48 : i32
      %add3A_149 = vector.broadcast %add3A_148 : i32 to vector<16xi32>
      %add3A_150 = arith.addi %iota3A, %add3A_149 : vector<16xi32>
      %mul3A_151 = arith.constant 100 : i32
      %mul3A_152 = arith.muli %scan3A_14, %mul3A_151 : i32
      %add3A_153 = arith.constant 48 : i32
      %add3A_154 = arith.addi %mul3A_152, %add3A_153 : i32
      %get3A_155 = arith.index_cast %add3A_154 : i32 to index
      %get3A_156 = tpu.vector_load %arg5[%get3A_155] {strides = array<i32>} : memref<1664xi32, #tpu.memory_space<vmem>>, vector<16xi32>,
      %jit3A_157 = arith.constant 50 : i32
      %div3A_158 = vector.broadcast %jit3A_157 : i32 to vector<16xi32>
      %div3A_159 = arith.divsi %add3A_150, %div3A_158 : vector<16xi32>
      %sign3A_160 = arith.constant 0 : i32
      %sign3A_161 = vector.broadcast %sign3A_160 : i32 to vector<16xi32>
      %sign3A_162 = arith.cmpi sgt, %add3A_150, %sign3A_161 : vector<16xi32>
      %sign3A_163 = arith.extui %sign3A_162 : vector<16xi1> to vector<16xi32>
      %sign3A_164 = arith.constant 0 : i32
      %sign3A_165 = vector.broadcast %sign3A_164 : i32 to vector<16xi32>
      %sign3A_166 = arith.cmpi slt, %add3A_150, %sign3A_165 : vector<16xi32>
      %sign3A_167 = arith.extui %sign3A_166 : vector<16xi1> to vector<16xi32>
      %sign3A_168 = arith.subi %sign3A_163, %sign3A_167 : vector<16xi32>
      %sign3A_169 = arith.constant 0 : i32
      %sign3A_170 = arith.cmpi sgt, %jit3A_157, %sign3A_169 : i32
      %sign3A_171 = arith.extui %sign3A_170 : i1 to i32
      %sign3A_172 = arith.constant 0 : i32
      %sign3A_173 = arith.cmpi slt, %jit3A_157, %sign3A_172 : i32
      %sign3A_174 = arith.extui %sign3A_173 : i1 to i32
      %sign3A_175 = arith.subi %sign3A_171, %sign3A_174 : i32
      %ne3A_176 = vector.broadcast %sign3A_175 : i32 to vector<16xi32>
      %ne3A_177 = arith.cmpi ne, %sign3A_168, %ne3A_176 : vector<16xi32>
      %rem3A_178 = vector.broadcast %jit3A_157 : i32 to vector<16xi32>
      %rem3A_179 = arith.remsi %add3A_150, %rem3A_178 : vector<16xi32>
      %ne3A_180 = arith.constant 0 : i32
      %ne3A_181 = vector.broadcast %ne3A_180 : i32 to vector<16xi32>
      %ne3A_182 = arith.cmpi ne, %rem3A_179, %ne3A_181 : vector<16xi32>
      %and3A_183 = arith.andi %ne3A_177, %ne3A_182 : vector<16xi1>
      %sub3A_184 = arith.constant 1 : i32
      %sub3A_185 = vector.broadcast %sub3A_184 : i32 to vector<16xi32>
      %sub3A_186 = arith.subi %div3A_159, %sub3A_185 : vector<16xi32>
      %select_n3A_187 = arith.select %and3A_183, %sub3A_186, %div3A_159 : vector<16xi1>, vector<16xi32>
      %mul3A_188 = arith.constant 50 : i32
      %mul3A_189 = vector.broadcast %mul3A_188 : i32 to vector<16xi32>
      %mul3A_190 = arith.muli %select_n3A_187, %mul3A_189 : vector<16xi32>
      %sub3A_191 = arith.subi %add3A_150, %mul3A_190 : vector<16xi32>
      %ne3A_192 = arith.constant 0 : i32
      %ne3A_193 = vector.broadcast %ne3A_192 : i32 to vector<16xi32>
      %ne3A_194 = arith.cmpi ne, %get3A_156, %ne3A_193 : vector<16xi32>
      tpu.vector_store_idx %arg6[%select_n3A_187, %sub3A_191, %get3A_156], %broadcast_in_dim3A_7 masked %ne3A_194 : memref<2x50x1000xf32, #tpu.memory_space<vmem>>[vector<16xi32>, vector<16xi32>, vector<16xi32>], vector<16xf32>, vector<16xi1>
      %add3A_195 = arith.constant 64 : i32
      %add3A_196 = vector.broadcast %add3A_195 : i32 to vector<16xi32>
      %add3A_197 = arith.addi %iota3A, %add3A_196 : vector<16xi32>
      %mul3A_198 = arith.constant 100 : i32
      %mul3A_199 = arith.muli %scan3A_14, %mul3A_198 : i32
      %add3A_200 = arith.constant 64 : i32
      %add3A_201 = arith.addi %mul3A_199, %add3A_200 : i32
      %get3A_202 = arith.index_cast %add3A_201 : i32 to index
      %get3A_203 = tpu.vector_load %arg5[%get3A_202] {strides = array<i32>} : memref<1664xi32, #tpu.memory_space<vmem>>, vector<16xi32>,
      %jit3A_204 = arith.constant 50 : i32
      %div3A_205 = vector.broadcast %jit3A_204 : i32 to vector<16xi32>
      %div3A_206 = arith.divsi %add3A_197, %div3A_205 : vector<16xi32>
      %sign3A_207 = arith.constant 0 : i32
      %sign3A_208 = vector.broadcast %sign3A_207 : i32 to vector<16xi32>
      %sign3A_209 = arith.cmpi sgt, %add3A_197, %sign3A_208 : vector<16xi32>
      %sign3A_210 = arith.extui %sign3A_209 : vector<16xi1> to vector<16xi32>
      %sign3A_211 = arith.constant 0 : i32
      %sign3A_212 = vector.broadcast %sign3A_211 : i32 to vector<16xi32>
      %sign3A_213 = arith.cmpi slt, %add3A_197, %sign3A_212 : vector<16xi32>
      %sign3A_214 = arith.extui %sign3A_213 : vector<16xi1> to vector<16xi32>
      %sign3A_215 = arith.subi %sign3A_210, %sign3A_214 : vector<16xi32>
      %sign3A_216 = arith.constant 0 : i32
      %sign3A_217 = arith.cmpi sgt, %jit3A_204, %sign3A_216 : i32
      %sign3A_218 = arith.extui %sign3A_217 : i1 to i32
      %sign3A_219 = arith.constant 0 : i32
      %sign3A_220 = arith.cmpi slt, %jit3A_204, %sign3A_219 : i32
      %sign3A_221 = arith.extui %sign3A_220 : i1 to i32
      %sign3A_222 = arith.subi %sign3A_218, %sign3A_221 : i32
      %ne3A_223 = vector.broadcast %sign3A_222 : i32 to vector<16xi32>
      %ne3A_224 = arith.cmpi ne, %sign3A_215, %ne3A_223 : vector<16xi32>
      %rem3A_225 = vector.broadcast %jit3A_204 : i32 to vector<16xi32>
      %rem3A_226 = arith.remsi %add3A_197, %rem3A_225 : vector<16xi32>
      %ne3A_227 = arith.constant 0 : i32
      %ne3A_228 = vector.broadcast %ne3A_227 : i32 to vector<16xi32>
      %ne3A_229 = arith.cmpi ne, %rem3A_226, %ne3A_228 : vector<16xi32>
      %and3A_230 = arith.andi %ne3A_224, %ne3A_229 : vector<16xi1>
      %sub3A_231 = arith.constant 1 : i32
      %sub3A_232 = vector.broadcast %sub3A_231 : i32 to vector<16xi32>
      %sub3A_233 = arith.subi %div3A_206, %sub3A_232 : vector<16xi32>
      %select_n3A_234 = arith.select %and3A_230, %sub3A_233, %div3A_206 : vector<16xi1>, vector<16xi32>
      %mul3A_235 = arith.constant 50 : i32
      %mul3A_236 = vector.broadcast %mul3A_235 : i32 to vector<16xi32>
      %mul3A_237 = arith.muli %select_n3A_234, %mul3A_236 : vector<16xi32>
      %sub3A_238 = arith.subi %add3A_197, %mul3A_237 : vector<16xi32>
      %ne3A_239 = arith.constant 0 : i32
      %ne3A_240 = vector.broadcast %ne3A_239 : i32 to vector<16xi32>
      %ne3A_241 = arith.cmpi ne, %get3A_203, %ne3A_240 : vector<16xi32>
      tpu.vector_store_idx %arg6[%select_n3A_234, %sub3A_238, %get3A_203], %broadcast_in_dim3A_7 masked %ne3A_241 : memref<2x50x1000xf32, #tpu.memory_space<vmem>>[vector<16xi32>, vector<16xi32>, vector<16xi32>], vector<16xf32>, vector<16xi1>
      %add3A_242 = arith.constant 80 : i32
      %add3A_243 = vector.broadcast %add3A_242 : i32 to vector<16xi32>
      %add3A_244 = arith.addi %iota3A, %add3A_243 : vector<16xi32>
      %mul3A_245 = arith.constant 100 : i32
      %mul3A_246 = arith.muli %scan3A_14, %mul3A_245 : i32
      %add3A_247 = arith.constant 80 : i32
      %add3A_248 = arith.addi %mul3A_246, %add3A_247 : i32
      %get3A_249 = arith.index_cast %add3A_248 : i32 to index
      %get3A_250 = tpu.vector_load %arg5[%get3A_249] {strides = array<i32>} : memref<1664xi32, #tpu.memory_space<vmem>>, vector<16xi32>,
      %jit3A_251 = arith.constant 50 : i32
      %div3A_252 = vector.broadcast %jit3A_251 : i32 to vector<16xi32>
      %div3A_253 = arith.divsi %add3A_244, %div3A_252 : vector<16xi32>
      %sign3A_254 = arith.constant 0 : i32
      %sign3A_255 = vector.broadcast %sign3A_254 : i32 to vector<16xi32>
      %sign3A_256 = arith.cmpi sgt, %add3A_244, %sign3A_255 : vector<16xi32>
      %sign3A_257 = arith.extui %sign3A_256 : vector<16xi1> to vector<16xi32>
      %sign3A_258 = arith.constant 0 : i32
      %sign3A_259 = vector.broadcast %sign3A_258 : i32 to vector<16xi32>
      %sign3A_260 = arith.cmpi slt, %add3A_244, %sign3A_259 : vector<16xi32>
      %sign3A_261 = arith.extui %sign3A_260 : vector<16xi1> to vector<16xi32>
      %sign3A_262 = arith.subi %sign3A_257, %sign3A_261 : vector<16xi32>
      %sign3A_263 = arith.constant 0 : i32
      %sign3A_264 = arith.cmpi sgt, %jit3A_251, %sign3A_263 : i32
      %sign3A_265 = arith.extui %sign3A_264 : i1 to i32
      %sign3A_266 = arith.constant 0 : i32
      %sign3A_267 = arith.cmpi slt, %jit3A_251, %sign3A_266 : i32
      %sign3A_268 = arith.extui %sign3A_267 : i1 to i32
      %sign3A_269 = arith.subi %sign3A_265, %sign3A_268 : i32
      %ne3A_270 = vector.broadcast %sign3A_269 : i32 to vector<16xi32>
      %ne3A_271 = arith.cmpi ne, %sign3A_262, %ne3A_270 : vector<16xi32>
      %rem3A_272 = vector.broadcast %jit3A_251 : i32 to vector<16xi32>
      %rem3A_273 = arith.remsi %add3A_244, %rem3A_272 : vector<16xi32>
      %ne3A_274 = arith.constant 0 : i32
      %ne3A_275 = vector.broadcast %ne3A_274 : i32 to vector<16xi32>
      %ne3A_276 = arith.cmpi ne, %rem3A_273, %ne3A_275 : vector<16xi32>
      %and3A_277 = arith.andi %ne3A_271, %ne3A_276 : vector<16xi1>
      %sub3A_278 = arith.constant 1 : i32
      %sub3A_279 = vector.broadcast %sub3A_278 : i32 to vector<16xi32>
      %sub3A_280 = arith.subi %div3A_253, %sub3A_279 : vector<16xi32>
      %select_n3A_281 = arith.select %and3A_277, %sub3A_280, %div3A_253 : vector<16xi1>, vector<16xi32>
      %mul3A_282 = arith.constant 50 : i32
      %mul3A_283 = vector.broadcast %mul3A_282 : i32 to vector<16xi32>
      %mul3A_284 = arith.muli %select_n3A_281, %mul3A_283 : vector<16xi32>
      %sub3A_285 = arith.subi %add3A_244, %mul3A_284 : vector<16xi32>
      %ne3A_286 = arith.constant 0 : i32
      %ne3A_287 = vector.broadcast %ne3A_286 : i32 to vector<16xi32>
      %ne3A_288 = arith.cmpi ne, %get3A_250, %ne3A_287 : vector<16xi32>
      tpu.vector_store_idx %arg6[%select_n3A_281, %sub3A_285, %get3A_250], %broadcast_in_dim3A_7 masked %ne3A_288 : memref<2x50x1000xf32, #tpu.memory_space<vmem>>[vector<16xi32>, vector<16xi32>, vector<16xi32>], vector<16xf32>, vector<16xi1>
      %add3A_289 = arith.constant 96 : i32
      %add3A_290 = vector.broadcast %add3A_289 : i32 to vector<16xi32>
      %add3A_291 = arith.addi %iota3A, %add3A_290 : vector<16xi32>
      %mul3A_292 = arith.constant 100 : i32
      %mul3A_293 = arith.muli %scan3A_14, %mul3A_292 : i32
      %add3A_294 = arith.constant 96 : i32
      %add3A_295 = arith.addi %mul3A_293, %add3A_294 : i32
      %get3A_296 = arith.index_cast %add3A_295 : i32 to index
      %get3A_297 = tpu.vector_load %arg5[%get3A_296] {strides = array<i32>} : memref<1664xi32, #tpu.memory_space<vmem>>, vector<16xi32>,
      %jit3A_298 = arith.constant 50 : i32
      %div3A_299 = vector.broadcast %jit3A_298 : i32 to vector<16xi32>
      %div3A_300 = arith.divsi %add3A_291, %div3A_299 : vector<16xi32>
      %sign3A_301 = arith.constant 0 : i32
      %sign3A_302 = vector.broadcast %sign3A_301 : i32 to vector<16xi32>
      %sign3A_303 = arith.cmpi sgt, %add3A_291, %sign3A_302 : vector<16xi32>
      %sign3A_304 = arith.extui %sign3A_303 : vector<16xi1> to vector<16xi32>
      %sign3A_305 = arith.constant 0 : i32
      %sign3A_306 = vector.broadcast %sign3A_305 : i32 to vector<16xi32>
      %sign3A_307 = arith.cmpi slt, %add3A_291, %sign3A_306 : vector<16xi32>
      %sign3A_308 = arith.extui %sign3A_307 : vector<16xi1> to vector<16xi32>
      %sign3A_309 = arith.subi %sign3A_304, %sign3A_308 : vector<16xi32>
      %sign3A_310 = arith.constant 0 : i32
      %sign3A_311 = arith.cmpi sgt, %jit3A_298, %sign3A_310 : i32
      %sign3A_312 = arith.extui %sign3A_311 : i1 to i32
      %sign3A_313 = arith.constant 0 : i32
      %sign3A_314 = arith.cmpi slt, %jit3A_298, %sign3A_313 : i32
      %sign3A_315 = arith.extui %sign3A_314 : i1 to i32
      %sign3A_316 = arith.subi %sign3A_312, %sign3A_315 : i32
      %ne3A_317 = vector.broadcast %sign3A_316 : i32 to vector<16xi32>
      %ne3A_318 = arith.cmpi ne, %sign3A_309, %ne3A_317 : vector<16xi32>
      %rem3A_319 = vector.broadcast %jit3A_298 : i32 to vector<16xi32>
      %rem3A_320 = arith.remsi %add3A_291, %rem3A_319 : vector<16xi32>
      %ne3A_321 = arith.constant 0 : i32
      %ne3A_322 = vector.broadcast %ne3A_321 : i32 to vector<16xi32>
      %ne3A_323 = arith.cmpi ne, %rem3A_320, %ne3A_322 : vector<16xi32>
      %and3A_324 = arith.andi %ne3A_318, %ne3A_323 : vector<16xi1>
      %sub3A_325 = arith.constant 1 : i32
      %sub3A_326 = vector.broadcast %sub3A_325 : i32 to vector<16xi32>
      %sub3A_327 = arith.subi %div3A_300, %sub3A_326 : vector<16xi32>
      %select_n3A_328 = arith.select %and3A_324, %sub3A_327, %div3A_300 : vector<16xi1>, vector<16xi32>
      %mul3A_329 = arith.constant 50 : i32
      %mul3A_330 = vector.broadcast %mul3A_329 : i32 to vector<16xi32>
      %mul3A_331 = arith.muli %select_n3A_328, %mul3A_330 : vector<16xi32>
      %sub3A_332 = arith.subi %add3A_291, %mul3A_331 : vector<16xi32>
      %ne3A_333 = arith.constant 0 : i32
      %ne3A_334 = vector.broadcast %ne3A_333 : i32 to vector<16xi32>
      %ne3A_335 = arith.cmpi ne, %get3A_297, %ne3A_334 : vector<16xi32>
      %lt3A = arith.constant 100 : i32
      %lt3A_336 = vector.broadcast %lt3A : i32 to vector<16xi32>
      %lt3A_337 = arith.cmpi slt, %add3A_291, %lt3A_336 : vector<16xi32>
      %and3A_338 = arith.andi %ne3A_335, %lt3A_337 : vector<16xi1>
      tpu.vector_store_idx %arg6[%select_n3A_328, %sub3A_332, %get3A_297], %broadcast_in_dim3A_7 masked %and3A_338 : memref<2x50x1000xf32, #tpu.memory_space<vmem>>[vector<16xi32>, vector<16xi32>, vector<16xi32>], vector<16xf32>, vector<16xi1>
      %mul3A_339 = arith.constant 2 : i32
      %mul3A_340 = arith.muli %scan3A_14, %mul3A_339 : i32
      %add3A_341 = arith.addi %mul3A_4, %mul3A_340 : i32
      "tpu.region"() ({
        %run_scoped3A = tpu.sem_alloc : memref<!tpu.dma_semaphore, #tpu.memory_space<semaphore_mem>>
        %dma_start3A = arith.constant 0 : i32
        %dma_start3A_676 = arith.constant 0 : i32
        %dma_start3A_677 = tpu.memref_slice %arg4[%add3A_341, %dma_start3A, %dma_start3A_676] : memref<1024x50x1000xf32, #tpu.memory_space<hbm>> -> memref<2x50x1000xf32, #tpu.memory_space<hbm>>
        %dma_start3A_678 = arith.constant 0 : i32
        %dma_start3A_679 = arith.constant 0 : i32
        %dma_start3A_680 = tpu.memref_slice %arg4[%add3A_341, %dma_start3A_678, %dma_start3A_679] : memref<1024x50x1000xf32, #tpu.memory_space<hbm>> -> memref<2x50x1000xf32, #tpu.memory_space<hbm>>
        tpu.enqueue_dma source(%arg6 : memref<2x50x1000xf32, #tpu.memory_space<vmem>>) target(%dma_start3A_680 : memref<2x50x1000xf32, #tpu.memory_space<hbm>>) target_semaphore(%run_scoped3A : memref<!tpu.dma_semaphore, #tpu.memory_space<semaphore_mem>>)
        %dma_wait3A = arith.constant 0 : i32
        %dma_wait3A_681 = arith.constant 0 : i32
        %dma_wait3A_682 = tpu.memref_slice %arg4[%add3A_341, %dma_wait3A, %dma_wait3A_681] : memref<1024x50x1000xf32, #tpu.memory_space<hbm>> -> memref<2x50x1000xf32, #tpu.memory_space<hbm>>
        %dma_wait3A_683 = arith.constant 0 : i32
        %dma_wait3A_684 = arith.constant 0 : i32
        %dma_wait3A_685 = tpu.memref_slice %arg4[%add3A_341, %dma_wait3A_683, %dma_wait3A_684] : memref<1024x50x1000xf32, #tpu.memory_space<hbm>> -> memref<2x50x1000xf32, #tpu.memory_space<hbm>>
        tpu.wait_dma2 semaphore(%run_scoped3A : memref<!tpu.dma_semaphore, #tpu.memory_space<semaphore_mem>>) src(%arg6 : memref<2x50x1000xf32, #tpu.memory_space<vmem>>) dst(%dma_wait3A_685 : memref<2x50x1000xf32, #tpu.memory_space<hbm>>)
        tpu.yield
      }) : () -> ()
      %add3A_342 = arith.constant 0 : i32
      %add3A_343 = vector.broadcast %add3A_342 : i32 to vector<16xi32>
      %add3A_344 = arith.addi %iota3A, %add3A_343 : vector<16xi32>
      %mul3A_345 = arith.constant 100 : i32
      %mul3A_346 = arith.muli %scan3A_14, %mul3A_345 : i32
      %add3A_347 = arith.constant 0 : i32
      %add3A_348 = arith.addi %mul3A_346, %add3A_347 : i32
      %get3A_349 = arith.index_cast %add3A_348 : i32 to index
      %get3A_350 = tpu.vector_load %arg5[%get3A_349] {strides = array<i32>} : memref<1664xi32, #tpu.memory_space<vmem>>, vector<16xi32>,
      %jit3A_351 = arith.constant 50 : i32
      %div3A_352 = vector.broadcast %jit3A_351 : i32 to vector<16xi32>
      %div3A_353 = arith.divsi %add3A_344, %div3A_352 : vector<16xi32>
      %sign3A_354 = arith.constant 0 : i32
      %sign3A_355 = vector.broadcast %sign3A_354 : i32 to vector<16xi32>
      %sign3A_356 = arith.cmpi sgt, %add3A_344, %sign3A_355 : vector<16xi32>
      %sign3A_357 = arith.extui %sign3A_356 : vector<16xi1> to vector<16xi32>
      %sign3A_358 = arith.constant 0 : i32
      %sign3A_359 = vector.broadcast %sign3A_358 : i32 to vector<16xi32>
      %sign3A_360 = arith.cmpi slt, %add3A_344, %sign3A_359 : vector<16xi32>
      %sign3A_361 = arith.extui %sign3A_360 : vector<16xi1> to vector<16xi32>
      %sign3A_362 = arith.subi %sign3A_357, %sign3A_361 : vector<16xi32>
      %sign3A_363 = arith.constant 0 : i32
      %sign3A_364 = arith.cmpi sgt, %jit3A_351, %sign3A_363 : i32
      %sign3A_365 = arith.extui %sign3A_364 : i1 to i32
      %sign3A_366 = arith.constant 0 : i32
      %sign3A_367 = arith.cmpi slt, %jit3A_351, %sign3A_366 : i32
      %sign3A_368 = arith.extui %sign3A_367 : i1 to i32
      %sign3A_369 = arith.subi %sign3A_365, %sign3A_368 : i32
      %ne3A_370 = vector.broadcast %sign3A_369 : i32 to vector<16xi32>
      %ne3A_371 = arith.cmpi ne, %sign3A_362, %ne3A_370 : vector<16xi32>
      %rem3A_372 = vector.broadcast %jit3A_351 : i32 to vector<16xi32>
      %rem3A_373 = arith.remsi %add3A_344, %rem3A_372 : vector<16xi32>
      %ne3A_374 = arith.constant 0 : i32
      %ne3A_375 = vector.broadcast %ne3A_374 : i32 to vector<16xi32>
      %ne3A_376 = arith.cmpi ne, %rem3A_373, %ne3A_375 : vector<16xi32>
      %and3A_377 = arith.andi %ne3A_371, %ne3A_376 : vector<16xi1>
      %sub3A_378 = arith.constant 1 : i32
      %sub3A_379 = vector.broadcast %sub3A_378 : i32 to vector<16xi32>
      %sub3A_380 = arith.subi %div3A_353, %sub3A_379 : vector<16xi32>
      %select_n3A_381 = arith.select %and3A_377, %sub3A_380, %div3A_353 : vector<16xi1>, vector<16xi32>
      %mul3A_382 = arith.constant 50 : i32
      %mul3A_383 = vector.broadcast %mul3A_382 : i32 to vector<16xi32>
      %mul3A_384 = arith.muli %select_n3A_381, %mul3A_383 : vector<16xi32>
      %sub3A_385 = arith.subi %add3A_344, %mul3A_384 : vector<16xi32>
      %ne3A_386 = arith.constant 0 : i32
      %ne3A_387 = vector.broadcast %ne3A_386 : i32 to vector<16xi32>
      %ne3A_388 = arith.cmpi ne, %get3A_350, %ne3A_387 : vector<16xi32>
      tpu.vector_store_idx %arg6[%select_n3A_381, %sub3A_385, %get3A_350], %broadcast_in_dim3A_5 masked %ne3A_388 : memref<2x50x1000xf32, #tpu.memory_space<vmem>>[vector<16xi32>, vector<16xi32>, vector<16xi32>], vector<16xf32>, vector<16xi1>
      %add3A_389 = arith.constant 16 : i32
      %add3A_390 = vector.broadcast %add3A_389 : i32 to vector<16xi32>
      %add3A_391 = arith.addi %iota3A, %add3A_390 : vector<16xi32>
      %mul3A_392 = arith.constant 100 : i32
      %mul3A_393 = arith.muli %scan3A_14, %mul3A_392 : i32
      %add3A_394 = arith.constant 16 : i32
      %add3A_395 = arith.addi %mul3A_393, %add3A_394 : i32
      %get3A_396 = arith.index_cast %add3A_395 : i32 to index
      %get3A_397 = tpu.vector_load %arg5[%get3A_396] {strides = array<i32>} : memref<1664xi32, #tpu.memory_space<vmem>>, vector<16xi32>,
      %jit3A_398 = arith.constant 50 : i32
      %div3A_399 = vector.broadcast %jit3A_398 : i32 to vector<16xi32>
      %div3A_400 = arith.divsi %add3A_391, %div3A_399 : vector<16xi32>
      %sign3A_401 = arith.constant 0 : i32
      %sign3A_402 = vector.broadcast %sign3A_401 : i32 to vector<16xi32>
      %sign3A_403 = arith.cmpi sgt, %add3A_391, %sign3A_402 : vector<16xi32>
      %sign3A_404 = arith.extui %sign3A_403 : vector<16xi1> to vector<16xi32>
      %sign3A_405 = arith.constant 0 : i32
      %sign3A_406 = vector.broadcast %sign3A_405 : i32 to vector<16xi32>
      %sign3A_407 = arith.cmpi slt, %add3A_391, %sign3A_406 : vector<16xi32>
      %sign3A_408 = arith.extui %sign3A_407 : vector<16xi1> to vector<16xi32>
      %sign3A_409 = arith.subi %sign3A_404, %sign3A_408 : vector<16xi32>
      %sign3A_410 = arith.constant 0 : i32
      %sign3A_411 = arith.cmpi sgt, %jit3A_398, %sign3A_410 : i32
      %sign3A_412 = arith.extui %sign3A_411 : i1 to i32
      %sign3A_413 = arith.constant 0 : i32
      %sign3A_414 = arith.cmpi slt, %jit3A_398, %sign3A_413 : i32
      %sign3A_415 = arith.extui %sign3A_414 : i1 to i32
      %sign3A_416 = arith.subi %sign3A_412, %sign3A_415 : i32
      %ne3A_417 = vector.broadcast %sign3A_416 : i32 to vector<16xi32>
      %ne3A_418 = arith.cmpi ne, %sign3A_409, %ne3A_417 : vector<16xi32>
      %rem3A_419 = vector.broadcast %jit3A_398 : i32 to vector<16xi32>
      %rem3A_420 = arith.remsi %add3A_391, %rem3A_419 : vector<16xi32>
      %ne3A_421 = arith.constant 0 : i32
      %ne3A_422 = vector.broadcast %ne3A_421 : i32 to vector<16xi32>
      %ne3A_423 = arith.cmpi ne, %rem3A_420, %ne3A_422 : vector<16xi32>
      %and3A_424 = arith.andi %ne3A_418, %ne3A_423 : vector<16xi1>
      %sub3A_425 = arith.constant 1 : i32
      %sub3A_426 = vector.broadcast %sub3A_425 : i32 to vector<16xi32>
      %sub3A_427 = arith.subi %div3A_400, %sub3A_426 : vector<16xi32>
      %select_n3A_428 = arith.select %and3A_424, %sub3A_427, %div3A_400 : vector<16xi1>, vector<16xi32>
      %mul3A_429 = arith.constant 50 : i32
      %mul3A_430 = vector.broadcast %mul3A_429 : i32 to vector<16xi32>
      %mul3A_431 = arith.muli %select_n3A_428, %mul3A_430 : vector<16xi32>
      %sub3A_432 = arith.subi %add3A_391, %mul3A_431 : vector<16xi32>
      %ne3A_433 = arith.constant 0 : i32
      %ne3A_434 = vector.broadcast %ne3A_433 : i32 to vector<16xi32>
      %ne3A_435 = arith.cmpi ne, %get3A_397, %ne3A_434 : vector<16xi32>
      tpu.vector_store_idx %arg6[%select_n3A_428, %sub3A_432, %get3A_397], %broadcast_in_dim3A_5 masked %ne3A_435 : memref<2x50x1000xf32, #tpu.memory_space<vmem>>[vector<16xi32>, vector<16xi32>, vector<16xi32>], vector<16xf32>, vector<16xi1>
      %add3A_436 = arith.constant 32 : i32
      %add3A_437 = vector.broadcast %add3A_436 : i32 to vector<16xi32>
      %add3A_438 = arith.addi %iota3A, %add3A_437 : vector<16xi32>
      %mul3A_439 = arith.constant 100 : i32
      %mul3A_440 = arith.muli %scan3A_14, %mul3A_439 : i32
      %add3A_441 = arith.constant 32 : i32
      %add3A_442 = arith.addi %mul3A_440, %add3A_441 : i32
      %get3A_443 = arith.index_cast %add3A_442 : i32 to index
      %get3A_444 = tpu.vector_load %arg5[%get3A_443] {strides = array<i32>} : memref<1664xi32, #tpu.memory_space<vmem>>, vector<16xi32>,
      %jit3A_445 = arith.constant 50 : i32
      %div3A_446 = vector.broadcast %jit3A_445 : i32 to vector<16xi32>
      %div3A_447 = arith.divsi %add3A_438, %div3A_446 : vector<16xi32>
      %sign3A_448 = arith.constant 0 : i32
      %sign3A_449 = vector.broadcast %sign3A_448 : i32 to vector<16xi32>
      %sign3A_450 = arith.cmpi sgt, %add3A_438, %sign3A_449 : vector<16xi32>
      %sign3A_451 = arith.extui %sign3A_450 : vector<16xi1> to vector<16xi32>
      %sign3A_452 = arith.constant 0 : i32
      %sign3A_453 = vector.broadcast %sign3A_452 : i32 to vector<16xi32>
      %sign3A_454 = arith.cmpi slt, %add3A_438, %sign3A_453 : vector<16xi32>
      %sign3A_455 = arith.extui %sign3A_454 : vector<16xi1> to vector<16xi32>
      %sign3A_456 = arith.subi %sign3A_451, %sign3A_455 : vector<16xi32>
      %sign3A_457 = arith.constant 0 : i32
      %sign3A_458 = arith.cmpi sgt, %jit3A_445, %sign3A_457 : i32
      %sign3A_459 = arith.extui %sign3A_458 : i1 to i32
      %sign3A_460 = arith.constant 0 : i32
      %sign3A_461 = arith.cmpi slt, %jit3A_445, %sign3A_460 : i32
      %sign3A_462 = arith.extui %sign3A_461 : i1 to i32
      %sign3A_463 = arith.subi %sign3A_459, %sign3A_462 : i32
      %ne3A_464 = vector.broadcast %sign3A_463 : i32 to vector<16xi32>
      %ne3A_465 = arith.cmpi ne, %sign3A_456, %ne3A_464 : vector<16xi32>
      %rem3A_466 = vector.broadcast %jit3A_445 : i32 to vector<16xi32>
      %rem3A_467 = arith.remsi %add3A_438, %rem3A_466 : vector<16xi32>
      %ne3A_468 = arith.constant 0 : i32
      %ne3A_469 = vector.broadcast %ne3A_468 : i32 to vector<16xi32>
      %ne3A_470 = arith.cmpi ne, %rem3A_467, %ne3A_469 : vector<16xi32>
      %and3A_471 = arith.andi %ne3A_465, %ne3A_470 : vector<16xi1>
      %sub3A_472 = arith.constant 1 : i32
      %sub3A_473 = vector.broadcast %sub3A_472 : i32 to vector<16xi32>
      %sub3A_474 = arith.subi %div3A_447, %sub3A_473 : vector<16xi32>
      %select_n3A_475 = arith.select %and3A_471, %sub3A_474, %div3A_447 : vector<16xi1>, vector<16xi32>
      %mul3A_476 = arith.constant 50 : i32
      %mul3A_477 = vector.broadcast %mul3A_476 : i32 to vector<16xi32>
      %mul3A_478 = arith.muli %select_n3A_475, %mul3A_477 : vector<16xi32>
      %sub3A_479 = arith.subi %add3A_438, %mul3A_478 : vector<16xi32>
      %ne3A_480 = arith.constant 0 : i32
      %ne3A_481 = vector.broadcast %ne3A_480 : i32 to vector<16xi32>
      %ne3A_482 = arith.cmpi ne, %get3A_444, %ne3A_481 : vector<16xi32>
      tpu.vector_store_idx %arg6[%select_n3A_475, %sub3A_479, %get3A_444], %broadcast_in_dim3A_5 masked %ne3A_482 : memref<2x50x1000xf32, #tpu.memory_space<vmem>>[vector<16xi32>, vector<16xi32>, vector<16xi32>], vector<16xf32>, vector<16xi1>
      %add3A_483 = arith.constant 48 : i32
      %add3A_484 = vector.broadcast %add3A_483 : i32 to vector<16xi32>
      %add3A_485 = arith.addi %iota3A, %add3A_484 : vector<16xi32>
      %mul3A_486 = arith.constant 100 : i32
      %mul3A_487 = arith.muli %scan3A_14, %mul3A_486 : i32
      %add3A_488 = arith.constant 48 : i32
      %add3A_489 = arith.addi %mul3A_487, %add3A_488 : i32
      %get3A_490 = arith.index_cast %add3A_489 : i32 to index
      %get3A_491 = tpu.vector_load %arg5[%get3A_490] {strides = array<i32>} : memref<1664xi32, #tpu.memory_space<vmem>>, vector<16xi32>,
      %jit3A_492 = arith.constant 50 : i32
      %div3A_493 = vector.broadcast %jit3A_492 : i32 to vector<16xi32>
      %div3A_494 = arith.divsi %add3A_485, %div3A_493 : vector<16xi32>
      %sign3A_495 = arith.constant 0 : i32
      %sign3A_496 = vector.broadcast %sign3A_495 : i32 to vector<16xi32>
      %sign3A_497 = arith.cmpi sgt, %add3A_485, %sign3A_496 : vector<16xi32>
      %sign3A_498 = arith.extui %sign3A_497 : vector<16xi1> to vector<16xi32>
      %sign3A_499 = arith.constant 0 : i32
      %sign3A_500 = vector.broadcast %sign3A_499 : i32 to vector<16xi32>
      %sign3A_501 = arith.cmpi slt, %add3A_485, %sign3A_500 : vector<16xi32>
      %sign3A_502 = arith.extui %sign3A_501 : vector<16xi1> to vector<16xi32>
      %sign3A_503 = arith.subi %sign3A_498, %sign3A_502 : vector<16xi32>
      %sign3A_504 = arith.constant 0 : i32
      %sign3A_505 = arith.cmpi sgt, %jit3A_492, %sign3A_504 : i32
      %sign3A_506 = arith.extui %sign3A_505 : i1 to i32
      %sign3A_507 = arith.constant 0 : i32
      %sign3A_508 = arith.cmpi slt, %jit3A_492, %sign3A_507 : i32
      %sign3A_509 = arith.extui %sign3A_508 : i1 to i32
      %sign3A_510 = arith.subi %sign3A_506, %sign3A_509 : i32
      %ne3A_511 = vector.broadcast %sign3A_510 : i32 to vector<16xi32>
      %ne3A_512 = arith.cmpi ne, %sign3A_503, %ne3A_511 : vector<16xi32>
      %rem3A_513 = vector.broadcast %jit3A_492 : i32 to vector<16xi32>
      %rem3A_514 = arith.remsi %add3A_485, %rem3A_513 : vector<16xi32>
      %ne3A_515 = arith.constant 0 : i32
      %ne3A_516 = vector.broadcast %ne3A_515 : i32 to vector<16xi32>
      %ne3A_517 = arith.cmpi ne, %rem3A_514, %ne3A_516 : vector<16xi32>
      %and3A_518 = arith.andi %ne3A_512, %ne3A_517 : vector<16xi1>
      %sub3A_519 = arith.constant 1 : i32
      %sub3A_520 = vector.broadcast %sub3A_519 : i32 to vector<16xi32>
      %sub3A_521 = arith.subi %div3A_494, %sub3A_520 : vector<16xi32>
      %select_n3A_522 = arith.select %and3A_518, %sub3A_521, %div3A_494 : vector<16xi1>, vector<16xi32>
      %mul3A_523 = arith.constant 50 : i32
      %mul3A_524 = vector.broadcast %mul3A_523 : i32 to vector<16xi32>
      %mul3A_525 = arith.muli %select_n3A_522, %mul3A_524 : vector<16xi32>
      %sub3A_526 = arith.subi %add3A_485, %mul3A_525 : vector<16xi32>
      %ne3A_527 = arith.constant 0 : i32
      %ne3A_528 = vector.broadcast %ne3A_527 : i32 to vector<16xi32>
      %ne3A_529 = arith.cmpi ne, %get3A_491, %ne3A_528 : vector<16xi32>
      tpu.vector_store_idx %arg6[%select_n3A_522, %sub3A_526, %get3A_491], %broadcast_in_dim3A_5 masked %ne3A_529 : memref<2x50x1000xf32, #tpu.memory_space<vmem>>[vector<16xi32>, vector<16xi32>, vector<16xi32>], vector<16xf32>, vector<16xi1>
      %add3A_530 = arith.constant 64 : i32
      %add3A_531 = vector.broadcast %add3A_530 : i32 to vector<16xi32>
      %add3A_532 = arith.addi %iota3A, %add3A_531 : vector<16xi32>
      %mul3A_533 = arith.constant 100 : i32
      %mul3A_534 = arith.muli %scan3A_14, %mul3A_533 : i32
      %add3A_535 = arith.constant 64 : i32
      %add3A_536 = arith.addi %mul3A_534, %add3A_535 : i32
      %get3A_537 = arith.index_cast %add3A_536 : i32 to index
      %get3A_538 = tpu.vector_load %arg5[%get3A_537] {strides = array<i32>} : memref<1664xi32, #tpu.memory_space<vmem>>, vector<16xi32>,
      %jit3A_539 = arith.constant 50 : i32
      %div3A_540 = vector.broadcast %jit3A_539 : i32 to vector<16xi32>
      %div3A_541 = arith.divsi %add3A_532, %div3A_540 : vector<16xi32>
      %sign3A_542 = arith.constant 0 : i32
      %sign3A_543 = vector.broadcast %sign3A_542 : i32 to vector<16xi32>
      %sign3A_544 = arith.cmpi sgt, %add3A_532, %sign3A_543 : vector<16xi32>
      %sign3A_545 = arith.extui %sign3A_544 : vector<16xi1> to vector<16xi32>
      %sign3A_546 = arith.constant 0 : i32
      %sign3A_547 = vector.broadcast %sign3A_546 : i32 to vector<16xi32>
      %sign3A_548 = arith.cmpi slt, %add3A_532, %sign3A_547 : vector<16xi32>
      %sign3A_549 = arith.extui %sign3A_548 : vector<16xi1> to vector<16xi32>
      %sign3A_550 = arith.subi %sign3A_545, %sign3A_549 : vector<16xi32>
      %sign3A_551 = arith.constant 0 : i32
      %sign3A_552 = arith.cmpi sgt, %jit3A_539, %sign3A_551 : i32
      %sign3A_553 = arith.extui %sign3A_552 : i1 to i32
      %sign3A_554 = arith.constant 0 : i32
      %sign3A_555 = arith.cmpi slt, %jit3A_539, %sign3A_554 : i32
      %sign3A_556 = arith.extui %sign3A_555 : i1 to i32
      %sign3A_557 = arith.subi %sign3A_553, %sign3A_556 : i32
      %ne3A_558 = vector.broadcast %sign3A_557 : i32 to vector<16xi32>
      %ne3A_559 = arith.cmpi ne, %sign3A_550, %ne3A_558 : vector<16xi32>
      %rem3A_560 = vector.broadcast %jit3A_539 : i32 to vector<16xi32>
      %rem3A_561 = arith.remsi %add3A_532, %rem3A_560 : vector<16xi32>
      %ne3A_562 = arith.constant 0 : i32
      %ne3A_563 = vector.broadcast %ne3A_562 : i32 to vector<16xi32>
      %ne3A_564 = arith.cmpi ne, %rem3A_561, %ne3A_563 : vector<16xi32>
      %and3A_565 = arith.andi %ne3A_559, %ne3A_564 : vector<16xi1>
      %sub3A_566 = arith.constant 1 : i32
      %sub3A_567 = vector.broadcast %sub3A_566 : i32 to vector<16xi32>
      %sub3A_568 = arith.subi %div3A_541, %sub3A_567 : vector<16xi32>
      %select_n3A_569 = arith.select %and3A_565, %sub3A_568, %div3A_541 : vector<16xi1>, vector<16xi32>
      %mul3A_570 = arith.constant 50 : i32
      %mul3A_571 = vector.broadcast %mul3A_570 : i32 to vector<16xi32>
      %mul3A_572 = arith.muli %select_n3A_569, %mul3A_571 : vector<16xi32>
      %sub3A_573 = arith.subi %add3A_532, %mul3A_572 : vector<16xi32>
      %ne3A_574 = arith.constant 0 : i32
      %ne3A_575 = vector.broadcast %ne3A_574 : i32 to vector<16xi32>
      %ne3A_576 = arith.cmpi ne, %get3A_538, %ne3A_575 : vector<16xi32>
      tpu.vector_store_idx %arg6[%select_n3A_569, %sub3A_573, %get3A_538], %broadcast_in_dim3A_5 masked %ne3A_576 : memref<2x50x1000xf32, #tpu.memory_space<vmem>>[vector<16xi32>, vector<16xi32>, vector<16xi32>], vector<16xf32>, vector<16xi1>
      %add3A_577 = arith.constant 80 : i32
      %add3A_578 = vector.broadcast %add3A_577 : i32 to vector<16xi32>
      %add3A_579 = arith.addi %iota3A, %add3A_578 : vector<16xi32>
      %mul3A_580 = arith.constant 100 : i32
      %mul3A_581 = arith.muli %scan3A_14, %mul3A_580 : i32
      %add3A_582 = arith.constant 80 : i32
      %add3A_583 = arith.addi %mul3A_581, %add3A_582 : i32
      %get3A_584 = arith.index_cast %add3A_583 : i32 to index
      %get3A_585 = tpu.vector_load %arg5[%get3A_584] {strides = array<i32>} : memref<1664xi32, #tpu.memory_space<vmem>>, vector<16xi32>,
      %jit3A_586 = arith.constant 50 : i32
      %div3A_587 = vector.broadcast %jit3A_586 : i32 to vector<16xi32>
      %div3A_588 = arith.divsi %add3A_579, %div3A_587 : vector<16xi32>
      %sign3A_589 = arith.constant 0 : i32
      %sign3A_590 = vector.broadcast %sign3A_589 : i32 to vector<16xi32>
      %sign3A_591 = arith.cmpi sgt, %add3A_579, %sign3A_590 : vector<16xi32>
      %sign3A_592 = arith.extui %sign3A_591 : vector<16xi1> to vector<16xi32>
      %sign3A_593 = arith.constant 0 : i32
      %sign3A_594 = vector.broadcast %sign3A_593 : i32 to vector<16xi32>
      %sign3A_595 = arith.cmpi slt, %add3A_579, %sign3A_594 : vector<16xi32>
      %sign3A_596 = arith.extui %sign3A_595 : vector<16xi1> to vector<16xi32>
      %sign3A_597 = arith.subi %sign3A_592, %sign3A_596 : vector<16xi32>
      %sign3A_598 = arith.constant 0 : i32
      %sign3A_599 = arith.cmpi sgt, %jit3A_586, %sign3A_598 : i32
      %sign3A_600 = arith.extui %sign3A_599 : i1 to i32
      %sign3A_601 = arith.constant 0 : i32
      %sign3A_602 = arith.cmpi slt, %jit3A_586, %sign3A_601 : i32
      %sign3A_603 = arith.extui %sign3A_602 : i1 to i32
      %sign3A_604 = arith.subi %sign3A_600, %sign3A_603 : i32
      %ne3A_605 = vector.broadcast %sign3A_604 : i32 to vector<16xi32>
      %ne3A_606 = arith.cmpi ne, %sign3A_597, %ne3A_605 : vector<16xi32>
      %rem3A_607 = vector.broadcast %jit3A_586 : i32 to vector<16xi32>
      %rem3A_608 = arith.remsi %add3A_579, %rem3A_607 : vector<16xi32>
      %ne3A_609 = arith.constant 0 : i32
      %ne3A_610 = vector.broadcast %ne3A_609 : i32 to vector<16xi32>
      %ne3A_611 = arith.cmpi ne, %rem3A_608, %ne3A_610 : vector<16xi32>
      %and3A_612 = arith.andi %ne3A_606, %ne3A_611 : vector<16xi1>
      %sub3A_613 = arith.constant 1 : i32
      %sub3A_614 = vector.broadcast %sub3A_613 : i32 to vector<16xi32>
      %sub3A_615 = arith.subi %div3A_588, %sub3A_614 : vector<16xi32>
      %select_n3A_616 = arith.select %and3A_612, %sub3A_615, %div3A_588 : vector<16xi1>, vector<16xi32>
      %mul3A_617 = arith.constant 50 : i32
      %mul3A_618 = vector.broadcast %mul3A_617 : i32 to vector<16xi32>
      %mul3A_619 = arith.muli %select_n3A_616, %mul3A_618 : vector<16xi32>
      %sub3A_620 = arith.subi %add3A_579, %mul3A_619 : vector<16xi32>
      %ne3A_621 = arith.constant 0 : i32
      %ne3A_622 = vector.broadcast %ne3A_621 : i32 to vector<16xi32>
      %ne3A_623 = arith.cmpi ne, %get3A_585, %ne3A_622 : vector<16xi32>
      tpu.vector_store_idx %arg6[%select_n3A_616, %sub3A_620, %get3A_585], %broadcast_in_dim3A_5 masked %ne3A_623 : memref<2x50x1000xf32, #tpu.memory_space<vmem>>[vector<16xi32>, vector<16xi32>, vector<16xi32>], vector<16xf32>, vector<16xi1>
      %add3A_624 = arith.constant 96 : i32
      %add3A_625 = vector.broadcast %add3A_624 : i32 to vector<16xi32>
      %add3A_626 = arith.addi %iota3A, %add3A_625 : vector<16xi32>
      %mul3A_627 = arith.constant 100 : i32
      %mul3A_628 = arith.muli %scan3A_14, %mul3A_627 : i32
      %add3A_629 = arith.constant 96 : i32
      %add3A_630 = arith.addi %mul3A_628, %add3A_629 : i32
      %get3A_631 = arith.index_cast %add3A_630 : i32 to index
      %get3A_632 = tpu.vector_load %arg5[%get3A_631] {strides = array<i32>} : memref<1664xi32, #tpu.memory_space<vmem>>, vector<16xi32>,
      %jit3A_633 = arith.constant 50 : i32
      %div3A_634 = vector.broadcast %jit3A_633 : i32 to vector<16xi32>
      %div3A_635 = arith.divsi %add3A_626, %div3A_634 : vector<16xi32>
      %sign3A_636 = arith.constant 0 : i32
      %sign3A_637 = vector.broadcast %sign3A_636 : i32 to vector<16xi32>
      %sign3A_638 = arith.cmpi sgt, %add3A_626, %sign3A_637 : vector<16xi32>
      %sign3A_639 = arith.extui %sign3A_638 : vector<16xi1> to vector<16xi32>
      %sign3A_640 = arith.constant 0 : i32
      %sign3A_641 = vector.broadcast %sign3A_640 : i32 to vector<16xi32>
      %sign3A_642 = arith.cmpi slt, %add3A_626, %sign3A_641 : vector<16xi32>
      %sign3A_643 = arith.extui %sign3A_642 : vector<16xi1> to vector<16xi32>
      %sign3A_644 = arith.subi %sign3A_639, %sign3A_643 : vector<16xi32>
      %sign3A_645 = arith.constant 0 : i32
      %sign3A_646 = arith.cmpi sgt, %jit3A_633, %sign3A_645 : i32
      %sign3A_647 = arith.extui %sign3A_646 : i1 to i32
      %sign3A_648 = arith.constant 0 : i32
      %sign3A_649 = arith.cmpi slt, %jit3A_633, %sign3A_648 : i32
      %sign3A_650 = arith.extui %sign3A_649 : i1 to i32
      %sign3A_651 = arith.subi %sign3A_647, %sign3A_650 : i32
      %ne3A_652 = vector.broadcast %sign3A_651 : i32 to vector<16xi32>
      %ne3A_653 = arith.cmpi ne, %sign3A_644, %ne3A_652 : vector<16xi32>
      %rem3A_654 = vector.broadcast %jit3A_633 : i32 to vector<16xi32>
      %rem3A_655 = arith.remsi %add3A_626, %rem3A_654 : vector<16xi32>
      %ne3A_656 = arith.constant 0 : i32
      %ne3A_657 = vector.broadcast %ne3A_656 : i32 to vector<16xi32>
      %ne3A_658 = arith.cmpi ne, %rem3A_655, %ne3A_657 : vector<16xi32>
      %and3A_659 = arith.andi %ne3A_653, %ne3A_658 : vector<16xi1>
      %sub3A_660 = arith.constant 1 : i32
      %sub3A_661 = vector.broadcast %sub3A_660 : i32 to vector<16xi32>
      %sub3A_662 = arith.subi %div3A_635, %sub3A_661 : vector<16xi32>
      %select_n3A_663 = arith.select %and3A_659, %sub3A_662, %div3A_635 : vector<16xi1>, vector<16xi32>
      %mul3A_664 = arith.constant 50 : i32
      %mul3A_665 = vector.broadcast %mul3A_664 : i32 to vector<16xi32>
      %mul3A_666 = arith.muli %select_n3A_663, %mul3A_665 : vector<16xi32>
      %sub3A_667 = arith.subi %add3A_626, %mul3A_666 : vector<16xi32>
      %ne3A_668 = arith.constant 0 : i32
      %ne3A_669 = vector.broadcast %ne3A_668 : i32 to vector<16xi32>
      %ne3A_670 = arith.cmpi ne, %get3A_632, %ne3A_669 : vector<16xi32>
      %lt3A_671 = arith.constant 100 : i32
      %lt3A_672 = vector.broadcast %lt3A_671 : i32 to vector<16xi32>
      %lt3A_673 = arith.cmpi slt, %add3A_626, %lt3A_672 : vector<16xi32>
      %and3A_674 = arith.andi %ne3A_670, %lt3A_673 : vector<16xi1>
      tpu.vector_store_idx %arg6[%select_n3A_663, %sub3A_667, %get3A_632], %broadcast_in_dim3A_5 masked %and3A_674 : memref<2x50x1000xf32, #tpu.memory_space<vmem>>[vector<16xi32>, vector<16xi32>, vector<16xi32>], vector<16xf32>, vector<16xi1>
      %scan3A_675 = arith.constant 0 : i32
      scf.yield %scan3A_675 : i32
    }
    %scan3A_13 = arith.constant 16 : i32
    return
  }
}

</mosaic_0001>

<sc_bundles>
// kernel: kernel.3.cloned.1.call-start
scs
__scs_entry_jumppad:
0x0: {  	(pc) =	sbr.rel $0x88, $3  }
0x1: {  	(tag) =	ssettag $0x0;
	lr =	simm.s32 $0x1  }
0x2: {  	[smem:$0x3FA0] =	sst lr;
	_ =	strace $0xD0000000  }
0x3: {  	_ = 	snop  }
0x4: {  	_ = 	snop  }
0x5: {  	_ = 	snop  }
0x6: {  	_ = 	snop  }
0x7: {  	_ = 	snop  }
__scs_overlays_trampoline_lowered:
0x8: {  	[smem:$0x3FAF] =	sst s0  }
0x9: {  	[smem:$0x3FB0] =	sst s1  }
0xa: {  	[smem:$0x3FB1] =	sst s2  }
0xb: {  	[smem:$0x3FB2] =	sst s3  }
0xc: {  	[smem:$0x3FB3] =	sst s4  }
0xd: {  	[smem:$0x3FB4] =	sst s5  }
0xe: {  	[smem:$0x3FB5] =	sst s6  }
0xf: {  	[smem:$0x3FB6] =	sst s7  }
0x10: {  	[smem:$0x3FB7] =	sst s8  }
0x11: {  	[smem:$0x3FB8] =	sst s9;
	s0 =	simm.s32 @!p0 $0x0  }
0x12: {  	s1 =	sld [smem:$0x3F9E];
	s0 =	simm.s32 @p0 $0x1  }
0x13: {  	[smem:$0x3FB9] =	sst s0;
	s0 =	simm.s32 @!p1 $0x0  }
0x14: {  	s2 =	sld [smem:$0x3F9D];
	s0 =	simm.s32 @p1 $0x1  }
0x15: {  	[smem:$0x3FBA] =	sst s0;
	s0 =	simm.s32 @!p2 $0x0  }
0x16: {  	s3 =	sld [smem:$0x3FDB];
	s0 =	simm.s32 @p2 $0x1  }
0x17: {  	s4 =	simm.s32 $0x1BF5;
	[smem:$0x3FBC] =	sst s0  }
0x18: {  	s0 =	sld [smem:$0x3F9F];
	_ =	swait.ge [sflag:s4], $0x0  }
0x19: {  	s7 =	sld [smem:$0x3FA0]  }
0x1a: {  	s8 =	sadd.s32 $0xFFFFE003, lr  }
0x1b: {  	s9 =	sadd.s32 $0xFFFFFEF7, lr;
	s5 =	simm.s32 $0xFFFFFFFF;
	p2 =	slt.u32 s8, $0xFFFFF086  }
0x1c: {  	p1 =	slt.u32 s9, $0xF7A;
	s5 =	simm.s32 @!p2 $0x0  }
0x1d: {  	s5 =	simm.s32 @p1 $0x1;
	p0 =	seq.s32 s7, s2  }
0x1e: {  	s7 =	smul.u32 @!p0 $0xF7A, s2;
	p2 =	seq.s32 @!p0 s5, $0x0  }
0x1f: {  	s9 =	smul.u32 $0xF7A, s1;
	s8 =	simm.s32 @!p0 $0x1BF5;
	p2 =	por !p2, p0  }
0x20: {  	[sflag:s8] =	ssyncset.s32 @!p0 $0xFFFFF086;
	s6 =	sadd.s32 @!p0 s3, s7;
	s7 =	simm.s32 @!p0 $0x108  }
0x21: {  	s3 =	sadd.s32 s3, s9;
	s6 =	sadd.s32 @!p0 $0x88, s6;
	s7 =	simm.s32 @p2 $0x1082  }
0x22: {  	[simem:s7], [sflag:s8] =	dma.local @!p0 [hbm:s6], $0xF7A  }
0x23: {  	s9 =	sor.u32 $0xD0000000, s2;
	s6 =	simm.s32 $0x108;
	_ =	swait.ge @!p0 [sflag:s8], $0x0  }
0x24: {  	s3 =	sadd.s32 $0x88, s3;
	s6 =	simm.s32 @!p1 $0x1082;
	[sflag:s4] =	ssyncset.s32 $0xFFFFF086  }
0x25: {  	[simem:s6], [sflag:s4] =	dma.local [hbm:s3], $0xF7A  }
0x26: {  	[smem:$0x3FA0] =	sst s1;
	(tag) =	ssettag s2;
	_ =	strace s9  }
0x27: {  	s1 =	sld [smem:$0x3FB0]  }
0x28: {  	s2 =	sld [smem:$0x3FB1]  }
0x29: {  	s4 =	sld [smem:$0x3FB3]  }
0x2a: {  	p0 =	seq.s32 s5, $0x0;
	s5 =	sld [smem:$0x3FB4]  }
0x2b: {  	s6 =	sld [smem:$0x3FB5]  }
0x2c: {  	s7 =	sld [smem:$0x3FB6]  }
0x2d: {  	s3 =	simm.s32 $0x108;
	s8 =	sld [smem:$0x3FB7]  }
0x2e: {  	s3 =	simm.s32 @!p0 $0x1082;
	s9 =	sld [smem:$0x3FB8]  }
0x2f: {  	lr =	sadd.s32 s0, s3;
	s0 =	sld [smem:$0x3FAF]  }
0x30: {  	s3 =	sld [smem:$0x3FB2]  }
0x31: {  	[smem:$0x3FBB] =	sst s10  }
0x32: {  	s10 =	sld [smem:$0x3FB9];
	_ =	sdelay $0x3  }
0x33: {  	p0 =	seq.s32 s10, $0x1;
	s10 =	sld [smem:$0x3FBB];
	_ =	sdelay $0x3  }
0x34: {  	[smem:$0x3FBB] =	sst s10  }
0x35: {  	s10 =	sld [smem:$0x3FBA];
	_ =	sdelay $0x3  }
0x36: {  	p1 =	seq.s32 s10, $0x1;
	s10 =	sld [smem:$0x3FBB];
	_ =	sdelay $0x3  }
0x37: {  	[smem:$0x3FBB] =	sst s10  }
0x38: {  	s10 =	sld [smem:$0x3FBC]  }
0x39: {  	_ = 	snop;
	(pc) =	sbr.ind lr, $3  }
0x3a: {  	_ = 	snop  }
0x3b: {  	_ = 	snop  }
0x3c: {  	p2 =	seq.s32 s10, $0x1;
	s10 =	sld [smem:$0x3FBB]  }
0x3d: {  	_ =	shalt  }
0x3e: {  	_ =	shalt  }
0x3f: {  	_ =	shalt  }
0x40: {  	_ =	shalt  }
0x41: {  	_ =	shalt  }
0x42: {  	_ =	shalt  }
0x43: {  	_ =	shalt  }
0x44: {  	_ =	shalt  }
0x45: {  	_ =	shalt  }
0x46: {  	_ =	shalt  }
0x47: {  	_ =	shalt  }
0x48: {  	_ =	shalt  }
0x49: {  	_ =	shalt  }
0x4a: {  	_ =	shalt  }
0x4b: {  	_ =	shalt  }
0x4c: {  	_ =	shalt  }
0x4d: {  	_ =	shalt  }
0x4e: {  	_ =	shalt  }
0x4f: {  	_ =	shalt  }
0x50: {  	_ =	shalt  }
0x51: {  	_ =	shalt  }
0x52: {  	_ =	shalt  }
0x53: {  	_ =	shalt  }
0x54: {  	_ =	shalt  }
0x55: {  	_ =	shalt  }
0x56: {  	_ =	shalt  }
0x57: {  	_ =	shalt  }
0x58: {  	_ =	shalt  }
0x59: {  	_ =	shalt  }
0x5a: {  	_ =	shalt  }
0x5b: {  	_ =	shalt  }
0x5c: {  	_ =	shalt  }
0x5d: {  	_ =	shalt  }
0x5e: {  	_ =	shalt  }
0x5f: {  	_ =	shalt  }
0x60: {  	_ =	shalt  }
0x61: {  	_ =	shalt  }
0x62: {  	_ =	shalt  }
0x63: {  	_ =	shalt  }
0x64: {  	_ =	shalt  }
0x65: {  	_ =	shalt  }
0x66: {  	_ =	shalt  }
0x67: {  	_ =	shalt  }
0x68: {  	_ =	shalt  }
0x69: {  	_ =	shalt  }
0x6a: {  	_ =	shalt  }
0x6b: {  	_ =	shalt  }
0x6c: {  	_ =	shalt  }
0x6d: {  	_ =	shalt  }
0x6e: {  	_ =	shalt  }
0x6f: {  	_ =	shalt  }
0x70: {  	_ =	shalt  }
0x71: {  	_ =	shalt  }
0x72: {  	_ =	shalt  }
0x73: {  	_ =	shalt  }
0x74: {  	_ =	shalt  }
0x75: {  	_ =	shalt  }
0x76: {  	_ =	shalt  }
0x77: {  	_ =	shalt  }
0x78: {  	_ =	shalt  }
0x79: {  	_ =	shalt  }
0x7a: {  	_ =	shalt  }
0x7b: {  	_ =	shalt  }
0x7c: {  	_ =	shalt  }
0x7d: {  	_ =	shalt  }
0x7e: {  	_ =	shalt  }
0x7f: {  	_ =	shalt  }
0x80: {  	_ =	shalt  }
0x81: {  	_ =	shalt  }
0x82: {  	_ =	shalt  }
0x83: {  	_ =	shalt  }
0x84: {  	_ =	shalt  }
0x85: {  	_ =	shalt  }
0x86: {  	_ =	shalt  }
0x87: {  	_ =	shalt  }
.Lfunc_end0:
.L_simem_size_0:
called_computation_lowered:
.L_overlay_start_0:
0x88: {  	s2 =	sld [smem:$0x3FD9]  }
0x89: {  	s3 =	sld [smem:$0x3FFE];
	_ =	sdelay $0x1  }
0x8a: {  	s1 =	srdreg.scid  }
0x8b: {  	s0 =	sand.u32 $0x1, s1  }
0x8c: {  	s17 =	sshll.u32 s0, $0xA;
	s2 =	sadd.s32 s3, s2  }
0x8d: {  	s2 =	sadd.s32 s2, s17  }
0x8e: {  	[smem:$0x3FC7] =	sst s2  }
0x8f: {  	_ = 	snop  }
0x90: {  	s2 =	sld [smem:$0x3FD0];
	(tm) =	ssettm $0x1  }
0x91: {  	s18 =	sld [smem:$0x3FFB];
	_ =	sdelay $0x3  }
0x92: {  	_ =	strace s18  }
0x93: {  	s3 =	sld [smem:$0x3FFC];
	_ =	sdelay $0x3  }
0x94: {  	_ =	strace s3  }
0x95: {  	s3 =	sld [smem:$0x3FFD];
	_ =	sdelay $0x3  }
0x96: {  	_ =	strace s3  }
0x97: {  	_ =	strace $0x8FFFFFFF  }
0x98: {  	s19 =	sld [smem:$0x3FDB];
	_ =	sdelay $0x1  }
0x99: {  	s4 =	simm.s32 $_scs_section_size  }
0x9a: {  	s5 =	simm.s32 $_size__tile_overlayer_lowered;
	s6 =	simm.s32 $_tile_overlayer_lowered  }
0x9b: {  	s22 =	simm.s32 $0x1BFF;
	s21 =	sshll.u32 s6, $0x1;
	s3 =	sadd.s32 s4, s19  }
0x9c: {  	s7 =	simm.s32 $0x0;
	s20 =	sshll.u32 s5, $0x1;
	s5 =	sadd.s32 s21, s3  }
0x9d: {  	[timem:s7], [sflag:s22] =	dma.local [hbm:s5], s20  }
0x9e: {  	_ =	swait.ge [sflag:s22], s20  }
0x9f: {  	s4 =	ssub.s32 $0x0, s20;
	[sflag:s22] =	ssyncset.done $0x0  }
0xa0: {  	[sflag:s22] =	ssyncadd.s32 s4;
	_ =	sdelay $0x1  }
0xa1: {  	s23 =	simm.s32 $0x1B8B  }
0xa2: {  	_ =	swait.ge [sflag:s23], $0x1  }
0xa3: {  	[sflag:s23] =	ssyncset.done $0x0  }
0xa4: {  	s25 =	simm.s32 $0x1B8E;
	s24 =	sld [smem:$0x3FFE];
	[sflag:s23] =	ssyncadd.s32 $0xFFFFFFFF  }
0xa5: {  	s26 =	simm.s32 $execute0_lowered;
	[smem:$0x3FD2] =	sst s25  }
0xa6: {  	s5 =	sshll.u32 s26, $0x1;
	_ =	strace $0x80000046;
	[dreg:$0x1] =	wrdreg $0xFFFFFFFF  }
0xa7: {  	s28 =	simm.s32 $_size_execute0_lowered;
	s3 =	sadd.s32 s3, s5;
	[dreg:$0x0] =	wrdreg $0x0  }
0xa8: {  	s5 =	sshll.u32 s28, $0x1;
	[dreg:$0x2] =	wrdreg s3  }
0xa9: {  	[dreg:$0x3] =	wrdreg s5  }
0xaa: {  	[dreg:$0x4] =	wrdreg $0xC0  }
0xab: {  	_ =	task [dreg:s7], $0x5FFFF  }
0xac: {  	[dreg:$0x1] =	wrdreg $0xFFFFFFFF  }
0xad: {  	[dreg:$0x0] =	wrdreg $0x60  }
0xae: {  	[dreg:$0x2] =	wrdreg s24  }
0xaf: {  	[dreg:$0x3] =	wrdreg s2  }
0xb0: {  	[dreg:$0x4] =	wrdreg $0x9  }
0xb1: {  	_ =	task.clear_ibuf [dreg:s7], $0x5FFFF;
	_ =	strace $0x90000046  }
0xb2: {  	s29 =	simm.s32 $0x9;
	_ =	strace $0x80000048  }
0xb3: {  	_ =	swait.ge [sflag:s29], $0x1  }
0xb4: {  	[sflag:s29] =	ssyncadd.s32 $0xFFFFFFFF  }
0xb5: {  	_ =	strace $0x90000048  }
0xb6: {  	_ =	sfence  }
0xb7: {  	s30 =	sld [smem:$0x0];
	_ =	sdelay $0x2  }
0xb8: {  	s31 =	sshll.u32 s1, $0xD;
	s1 =	sshrl.u32 s1, $0x2  }
0xb9: {  	s3 =	sand.u32 $0x4000, s31;
	s1 =	sadd.s32 s1, s30  }
0xba: {  	s0 =	sor.u32 s3, s0;
	s1 =	sshll.u32 s1, $0x11  }
0xbb: {  	s0 =	sor.u32 s1, s0  }
0xbc: {  	s0 =	sadd.s32 $0x8F2B, s0  }
0xbd: {  	[sflag:s0] =	ssyncadd.remote.s32 $0x1  }
0xbe: {  	_ =	sfence.sel $0xFFFF  }
0xbf: {  	[dreg:$0x0] =	wrdreg $0xFFFFFFFF;
	(pc) =	sbr.abs _section_cstart, $3  }
0xc0: {  	[dreg:$0x1] =	wrdreg $0xFFFFFFFF  }
0xc1: {  	_ =	task.clear_ibuf [dreg:s7], $0x2FFFF;
	_ =	strace $0x9FFFFFFF  }
0xc2: {  	(tm) =	ssettm $0x7FFFFFFF  }
0xc3: {  	_ =	shalt  }
tec
execute0_lowered:
.L_overlay_start_1:
0x0: {  	(tag) =	ssettag $0x1  }
0x1: {  	v0 =	vimm.s32 $0x2380  }
0x2: {  	vm14 =	vcmask $0x300;
	vm13 =	vcmask $0x704;
	vm12 =	vcmask $0xB08  }
0x3: {  	vm11 =	vcmask $0xF0C;
	vm10 =	vcmask $0x1310;
	vm9 =	vcmask $0x1714  }
0x4: {  	vm8 =	vcmask $0x1B18;
	vm7 =	vcmask $0x1F1C;
	vm6 =	vcmask $0x2320  }
0x5: {  	vm5 =	vcmask $0x2724;
	vm4 =	vcmask $0x2B28;
	vm3 =	vcmask $0x2F2C  }
0x6: {  	vm2 =	vcmask $0x3330;
	vm0 =	vcmask $0x3734;
	vm1 =	vcmask $0x3B38  }
0x7: {  	v1 =	vimm.f32 $1.000000000e+00;
	v2 =	vimm.s32 $0x6380;
	v3 =	vimm.s32 $0xA380  }
0x8: {  	v4 =	vimm.s32 $0x10280;
	v5 =	vimm.s32 $0x14280;
	v6 =	vimm.s32 $0x18280  }
0x9: {  	v7 =	vimm.s32 $0x1E180;
	v8 =	vimm.f32 $0.0e+00;
	v0 =	vsel vm14, $0x0, v0  }
0xa: {  	v2 =	vsel vm14, $0x4000, v2;
	v3 =	vsel vm14, $0x8000, v3;
	v4 =	vsel vm14, $0xC000, v4  }
0xb: {  	v5 =	vsel vm14, $0x10300, v5;
	v6 =	vsel vm14, $0x14300, v6;
	v7 =	vsel vm14, $0x18300, v7  }
0xc: {  	v0 =	vsel vm13, $0x80, v0;
	v2 =	vsel vm13, $0x4080, v2;
	v3 =	vsel vm13, $0x8080, v3  }
0xd: {  	v4 =	vsel vm13, $0xC080, v4;
	v5 =	vsel vm13, $0x10380, v5;
	v6 =	vsel vm13, $0x14380, v6  }
0xe: {  	v7 =	vsel vm13, $0x18380, v7;
	v0 =	vsel vm12, $0x100, v0;
	v2 =	vsel vm12, $0x4100, v2  }
0xf: {  	v3 =	vsel vm12, $0x8100, v3;
	v4 =	vsel vm12, $0xE000, v4;
	v5 =	vsel vm12, $0x12000, v5  }
0x10: {  	v6 =	vsel vm12, $0x16000, v6;
	v7 =	vsel vm12, $0x1A000, v7;
	v0 =	vsel vm11, $0x180, v0  }
0x11: {  	v2 =	vsel vm11, $0x4180, v2;
	v3 =	vsel vm11, $0x8180, v3;
	v4 =	vsel vm11, $0xE080, v4  }
0x12: {  	v5 =	vsel vm11, $0x12080, v5;
	v6 =	vsel vm11, $0x16080, v6;
	v7 =	vsel vm11, $0x1A080, v7  }
0x13: {  	v0 =	vsel vm10, $0x200, v0;
	v2 =	vsel vm10, $0x4200, v2;
	v3 =	vsel vm10, $0x8200, v3  }
0x14: {  	v4 =	vsel vm10, $0xE100, v4;
	v5 =	vsel vm10, $0x12100, v5;
	v6 =	vsel vm10, $0x16100, v6  }
0x15: {  	v7 =	vsel vm10, $0x1C000, v7;
	v0 =	vsel vm9, $0x280, v0;
	v2 =	vsel vm9, $0x4280, v2  }
0x16: {  	v3 =	vsel vm9, $0x8280, v3;
	v4 =	vsel vm9, $0xE180, v4;
	v5 =	vsel vm9, $0x12180, v5  }
0x17: {  	v6 =	vsel vm9, $0x16180, v6;
	v7 =	vsel vm9, $0x1C080, v7;
	v0 =	vsel vm8, $0x300, v0  }
0x18: {  	v2 =	vsel vm8, $0x4300, v2;
	v3 =	vsel vm8, $0x8300, v3;
	v4 =	vsel vm8, $0xE200, v4  }
0x19: {  	v5 =	vsel vm8, $0x12200, v5;
	v6 =	vsel vm8, $0x16200, v6;
	v7 =	vsel vm8, $0x1C100, v7  }
0x1a: {  	v0 =	vsel vm7, $0x380, v0;
	v2 =	vsel vm7, $0x4380, v2;
	v3 =	vsel vm7, $0x8380, v3  }
0x1b: {  	v4 =	vsel vm7, $0xE280, v4;
	v5 =	vsel vm7, $0x12280, v5;
	v6 =	vsel vm7, $0x16280, v6  }
0x1c: {  	v7 =	vsel vm7, $0x1C180, v7;
	v0 =	vsel vm6, $0x2000, v0;
	v2 =	vsel vm6, $0x6000, v2  }
0x1d: {  	v3 =	vsel vm6, $0xA000, v3;
	v4 =	vsel vm6, $0xE300, v4;
	v5 =	vsel vm6, $0x12300, v5  }
0x1e: {  	v6 =	vsel vm6, $0x16300, v6;
	v7 =	vsel vm6, $0x1C200, v7;
	v0 =	vsel vm5, $0x2080, v0  }
0x1f: {  	v2 =	vsel vm5, $0x6080, v2;
	v3 =	vsel vm5, $0xA080, v3;
	v4 =	vsel vm5, $0xE380, v4  }
0x20: {  	v5 =	vsel vm5, $0x12380, v5;
	v6 =	vsel vm5, $0x16380, v6;
	v7 =	vsel vm5, $0x1C280, v7  }
0x21: {  	v0 =	vsel vm4, $0x2100, v0;
	v2 =	vsel vm4, $0x6100, v2;
	v3 =	vsel vm4, $0xA100, v3  }
0x22: {  	v4 =	vsel vm4, $0x10000, v4;
	v5 =	vsel vm4, $0x14000, v5;
	v6 =	vsel vm4, $0x18000, v6  }
0x23: {  	s1 =	srdreg.scid;
	v7 =	vsel vm4, $0x1C300, v7;
	v0 =	vsel vm3, $0x2180, v0;
	v2 =	vsel vm3, $0x6180, v2  }
0x24: {  	s0 =	stileid.u32;
	s5 =	rddreg [dreg:$0x0];
	v3 =	vsel vm3, $0xA180, v3;
	v4 =	vsel vm3, $0x10080, v4;
	v5 =	vsel vm3, $0x14080, v5  }
0x25: {  	s2 =	rddreg [dreg:$0x1];
	s3 =	simm.s32 $0x0;
	s4 =	sand.u32 $0x1, s1;
	v6 =	vsel vm3, $0x18080, v6;
	v7 =	vsel vm3, $0x1C380, v7;
	v0 =	vsel vm2, $0x2200, v0  }
0x26: {  	s30 =	sshll.u32 s0, $0x1;
	s7 =	smul.u32 $0x70000, s0;
	[smem:$0x7FF] =	sst s3;
	v2 =	vsel vm2, $0x6200, v2;
	v3 =	vsel vm2, $0xA200, v3;
	v4 =	vsel vm2, $0x10100, v4  }
0x27: {  	s1 =	sor.u32 s4, s30;
	s8 =	ssub.s32 $0x2, s4;
	s4 =	smul.u32 $0x38000, s4;
	v5 =	vsel vm2, $0x14100, v5;
	v6 =	vsel vm2, $0x18100, v6;
	v7 =	vsel vm2, $0x1E000, v7  }
0x28: {  	s6 =	smul.u32 $0xC8, s1;
	s1 =	rddreg [dreg:$0x2];
	v0 =	vsel vm0, $0x2280, v0;
	v2 =	vsel vm0, $0x6280, v2;
	v3 =	vsel vm0, $0xA280, v3  }
0x29: {  	_ =	strace $0x80000047;
	s7 =	sadd.s32 s7, s5;
	s9 =	sshrl.u32 s8, $0x1;
	v4 =	vsel vm0, $0x10180, v4;
	v5 =	vsel vm0, $0x14180, v5;
	v6 =	vsel vm0, $0x18180, v6  }
0x2a: {  	s31 =	ssub.s32 s8, s9;
	s7 =	sadd.s32 s4, s7;
	s8 =	simm.s32 $0x680;
	v7 =	vsel vm0, $0x1E080, v7;
	vm0 =	vmmov $0xf;
	v0 =	vsel vm1, $0x2300, v0  }
0x2b: {  	s9 =	simm.s32 $0x0;
	s5 =	sadd.s32 s6, s5;
	s6 =	sadd.s32 $0x1E00, s7;
	v2 =	vsel vm1, $0x6300, v2;
	v3 =	vsel vm1, $0xA300, v3;
	v4 =	vsel vm1, $0x10200, v4  }
0x2c: {  	s7 =	simm.s32 $0x1;
	s4 =	sadd.s32 $0x400, s5;
	s5 =	smax.u32 s31, $0x1;
	v5 =	vsel vm1, $0x14200, v5;
	v6 =	vsel vm1, $0x18200, v6;
	v7 =	vsel vm1, $0x1E100, v7  }
.LBB2_1:
0x2d: {  	[tilespmem:s3], [sflag:$0x1] =	stream.linear.gather [hbm4b:s4+s3], $0x640, $0x38;
	[tilespmem:$0x1C680] =	vst v63  }
0x2e: {  	_ =	swait.ge [sflag:s7], $0x640  }
0x2f: {  	[sflag:s7] =	ssyncset.done $0x0  }
0x30: {  	[sflag:s7] =	ssyncadd.s32 $0xFFFFF9C0  }
0x31: {  	[tilespmem:s8], [sflag:$0x1] =	stream.linear.gather [hbm4b:s2+s3], $0x1C000, $0x38;
	[tilespmem:$0x1C680] =	vst v63  }
0x32: {  	_ =	swait.ge [sflag:s7], $0x1C000  }
0x33: {  	[sflag:s7] =	ssyncset.done $0x0  }
0x34: {  	s10 =	simm.s32 $0x30;
	s11 =	simm.s32 $0x0;
	[sflag:s7] =	ssyncadd.s32 $0xFFFE4000  }
.LBB2_2:
0x35: {  	v9 =	vld [tilespmem:s10+$0xFFFFFFD0];
	_ =	sdelay $0x4  }
0x36: {  	v10 =	vshll.u32 v9, $0x3  }
0x37: {  	v11 =	vand.u32 $0x7F, v9;
	v10 =	vand.u32 $0xFFFFFC00, v10  }
0x38: {  	vm1 =	vne.s32 v9, $0x0;
	v9 =	vor.u32 v11, v10  }
0x39: {  	v9 =	vadd.s32 v0, v9;
	_ =	sdelay $0x4  }
0x3a: {  	[tilespmem:v9+s8+$0x0] =	vst.idx.msk vm1, v1  }
0x3b: {  	v9 =	vld [tilespmem:s10+$0xFFFFFFE0];
	_ =	sdelay $0x4  }
0x3c: {  	v10 =	vshll.u32 v9, $0x3  }
0x3d: {  	v11 =	vand.u32 $0x7F, v9;
	v10 =	vand.u32 $0xFFFFFC00, v10  }
0x3e: {  	vm1 =	vne.s32 v9, $0x0;
	v9 =	vor.u32 v11, v10  }
0x3f: {  	v9 =	vadd.s32 v2, v9;
	_ =	sdelay $0x4  }
0x40: {  	[tilespmem:v9+s8+$0x0] =	vst.idx.msk vm1, v1  }
0x41: {  	v9 =	vld [tilespmem:s10+$0xFFFFFFF0];
	_ =	sdelay $0x4  }
0x42: {  	v10 =	vshll.u32 v9, $0x3  }
0x43: {  	v11 =	vand.u32 $0x7F, v9;
	v10 =	vand.u32 $0xFFFFFC00, v10  }
0x44: {  	vm1 =	vne.s32 v9, $0x0;
	v9 =	vor.u32 v11, v10  }
0x45: {  	v9 =	vadd.s32 v3, v9;
	_ =	sdelay $0x4  }
0x46: {  	[tilespmem:v9+s8+$0x0] =	vst.idx.msk vm1, v1  }
0x47: {  	v9 =	vld [tilespmem:s10+$0x0];
	_ =	sdelay $0x4  }
0x48: {  	v10 =	vshll.u32 v9, $0x3  }
0x49: {  	v11 =	vand.u32 $0x7F, v9;
	v10 =	vand.u32 $0xFFFFFC00, v10  }
0x4a: {  	vm1 =	vne.s32 v9, $0x0;
	v9 =	vor.u32 v11, v10  }
0x4b: {  	v9 =	vadd.s32 v4, v9;
	_ =	sdelay $0x4  }
0x4c: {  	[tilespmem:v9+s8+$0x0] =	vst.idx.msk vm1, v1  }
0x4d: {  	v9 =	vld [tilespmem:s10+$0x10];
	_ =	sdelay $0x4  }
0x4e: {  	v10 =	vshll.u32 v9, $0x3  }
0x4f: {  	v11 =	vand.u32 $0x7F, v9;
	v10 =	vand.u32 $0xFFFFFC00, v10  }
0x50: {  	vm1 =	vne.s32 v9, $0x0;
	v9 =	vor.u32 v11, v10  }
0x51: {  	v9 =	vadd.s32 v5, v9;
	_ =	sdelay $0x4  }
0x52: {  	[tilespmem:v9+s8+$0x0] =	vst.idx.msk vm1, v1  }
0x53: {  	v9 =	vld [tilespmem:s10+$0x20];
	_ =	sdelay $0x4  }
0x54: {  	v10 =	vshll.u32 v9, $0x3  }
0x55: {  	v11 =	vand.u32 $0x7F, v9;
	v10 =	vand.u32 $0xFFFFFC00, v10  }
0x56: {  	vm1 =	vne.s32 v9, $0x0;
	v9 =	vor.u32 v11, v10  }
0x57: {  	v9 =	vadd.s32 v6, v9;
	_ =	sdelay $0x4  }
0x58: {  	[tilespmem:v9+s8+$0x0] =	vst.idx.msk vm1, v1  }
0x59: {  	v9 =	vld [tilespmem:s10+$0x30];
	_ =	sdelay $0x4  }
0x5a: {  	v10 =	vshll.u32 v9, $0x3  }
0x5b: {  	vm1 =	vne.s32 v9, $0x0;
	v9 =	vand.u32 $0x7F, v9;
	v10 =	vand.u32 $0xFFFFFC00, v10  }
0x5c: {  	vm1 =	vmand vm1, vm0;
	v9 =	vor.u32 v9, v10  }
0x5d: {  	v9 =	vadd.s32 v7, v9;
	_ =	sdelay $0x4  }
0x5e: {  	s12 =	sadd.s32 s11, s6;
	[tilespmem:v9+s8+$0x0] =	vst.idx.msk vm1, v1  }
0x5f: {  	[hbm4b:s12+s3] =	stream.linear.scatter [tilespmem:s8], [sflag:$0x1], $0x1C000, $0x38;
	[tilespmem:$0x1C680] =	vst v63  }
0x60: {  	_ =	swait.ge [sflag:s7], $0x1C000  }
0x61: {  	[sflag:s7] =	ssyncset.done $0x0  }
0x62: {  	[sflag:s7] =	ssyncadd.s32 $0xFFFE4000  }
0x63: {  	v9 =	vld [tilespmem:s10+$0xFFFFFFD0];
	_ =	sdelay $0x4  }
0x64: {  	v10 =	vshll.u32 v9, $0x3  }
0x65: {  	v11 =	vand.u32 $0x7F, v9;
	v10 =	vand.u32 $0xFFFFFC00, v10  }
0x66: {  	vm1 =	vne.s32 v9, $0x0;
	v9 =	vor.u32 v11, v10  }
0x67: {  	v9 =	vadd.s32 v0, v9;
	_ =	sdelay $0x4  }
0x68: {  	[tilespmem:v9+s8+$0x0] =	vst.idx.msk vm1, v8  }
0x69: {  	v9 =	vld [tilespmem:s10+$0xFFFFFFE0];
	_ =	sdelay $0x4  }
0x6a: {  	v10 =	vshll.u32 v9, $0x3  }
0x6b: {  	v11 =	vand.u32 $0x7F, v9;
	v10 =	vand.u32 $0xFFFFFC00, v10  }
0x6c: {  	vm1 =	vne.s32 v9, $0x0;
	v9 =	vor.u32 v11, v10  }
0x6d: {  	v9 =	vadd.s32 v2, v9;
	_ =	sdelay $0x4  }
0x6e: {  	[tilespmem:v9+s8+$0x0] =	vst.idx.msk vm1, v8  }
0x6f: {  	v9 =	vld [tilespmem:s10+$0xFFFFFFF0];
	_ =	sdelay $0x4  }
0x70: {  	v10 =	vshll.u32 v9, $0x3  }
0x71: {  	v11 =	vand.u32 $0x7F, v9;
	v10 =	vand.u32 $0xFFFFFC00, v10  }
0x72: {  	vm1 =	vne.s32 v9, $0x0;
	v9 =	vor.u32 v11, v10  }
0x73: {  	v9 =	vadd.s32 v3, v9;
	_ =	sdelay $0x4  }
0x74: {  	[tilespmem:v9+s8+$0x0] =	vst.idx.msk vm1, v8  }
0x75: {  	v9 =	vld [tilespmem:s10+$0x0];
	_ =	sdelay $0x4  }
0x76: {  	v10 =	vshll.u32 v9, $0x3  }
0x77: {  	v11 =	vand.u32 $0x7F, v9;
	v10 =	vand.u32 $0xFFFFFC00, v10  }
0x78: {  	vm1 =	vne.s32 v9, $0x0;
	v9 =	vor.u32 v11, v10  }
0x79: {  	v9 =	vadd.s32 v4, v9;
	_ =	sdelay $0x4  }
0x7a: {  	[tilespmem:v9+s8+$0x0] =	vst.idx.msk vm1, v8  }
0x7b: {  	v9 =	vld [tilespmem:s10+$0x10];
	_ =	sdelay $0x4  }
0x7c: {  	v10 =	vshll.u32 v9, $0x3  }
0x7d: {  	v11 =	vand.u32 $0x7F, v9;
	v10 =	vand.u32 $0xFFFFFC00, v10  }
0x7e: {  	vm1 =	vne.s32 v9, $0x0;
	v9 =	vor.u32 v11, v10  }
0x7f: {  	v9 =	vadd.s32 v5, v9;
	_ =	sdelay $0x4  }
0x80: {  	[tilespmem:v9+s8+$0x0] =	vst.idx.msk vm1, v8  }
0x81: {  	v9 =	vld [tilespmem:s10+$0x20];
	_ =	sdelay $0x4  }
0x82: {  	v10 =	vshll.u32 v9, $0x3  }
0x83: {  	v11 =	vand.u32 $0x7F, v9;
	v10 =	vand.u32 $0xFFFFFC00, v10  }
0x84: {  	vm1 =	vne.s32 v9, $0x0;
	v9 =	vor.u32 v11, v10  }
0x85: {  	v9 =	vadd.s32 v6, v9;
	_ =	sdelay $0x4  }
0x86: {  	[tilespmem:v9+s8+$0x0] =	vst.idx.msk vm1, v8  }
0x87: {  	v9 =	vld [tilespmem:s10+$0x30];
	_ =	sdelay $0x4  }
0x88: {  	v10 =	vshll.u32 v9, $0x3  }
0x89: {  	vm1 =	vne.s32 v9, $0x0;
	v9 =	vand.u32 $0x7F, v9;
	v10 =	vand.u32 $0xFFFFFC00, v10  }
0x8a: {  	vm1 =	vmand vm1, vm0;
	v9 =	vor.u32 v9, v10  }
0x8b: {  	p0 =	sne.s32 s11, $0x34800;
	v9 =	vadd.s32 v7, v9  }
.Ltmp0:
0x8c: {  	_ = 	snop;
	(pc) =	sbr.rel @p0 .LBB2_2-.Ltmp0, $2  }
0x8d: {  	_ =	sdelay $0x2  }
0x8e: {  	s11 =	sadd.s32 $0x3800, s11;
	s10 =	sadd.s32 $0x64, s10;
	[tilespmem:v9+s8+$0x0] =	vst.idx.msk vm1, v8  }
0x8f: {  	s9 =	sadd.s32 $0x1, s9  }
0x90: {  	p0 =	sne.s32 s9, s5  }
.Ltmp1:
0x91: {  	_ = 	snop;
	(pc) =	sbr.rel @p0 .LBB2_1-.Ltmp1, $1  }
0x92: {  	_ =	sdelay $0x3  }
0x93: {  	_ =	sfence.sel $0x180000  }
0x94: {  	[bflag:$0x0] =	sbarrier.arrive $0xFFFF  }
0x95: {  	p0 =	sne.s32 s0, $0x0;
	_ =	strace $0x90000047  }
0x96: {  	s0 =	sadd.s32 @!p0 $0x100000, s1;
	[bflag:$0x2] =	sbarrier.arrive $0xFFFF  }
0x97: {  	[sflag:s0] =	ssyncadd.tile.s32 @!p0 $0x1;
	_ =	shalt  }
.Lfunc_end2:
_tile_overlayer_lowered:
.L_overlay_start_2:
0x98: {  	(tag) =	ssettag $0x2  }
0x99: {  	s0 =	rddreg [dreg:$0x0];
	s2 =	stileid.u32  }
0x9a: {  	s1 =	rddreg [dreg:$0x1];
	p0 =	sne.s32 s2, $0x0  }
0x9b: {  	s3 =	rddreg [dreg:$0x2];
	[bflag:$0x3] =	sbarrier.arrive $0xFFFF;
	s2 =	simm.s32 @!p0 $0x1C01  }
0x9c: {  	[timem:s3], [sflag:s2] =	dma.local @!p0 [hbm:s0], s1  }
0x9d: {  	s0 =	simm.s32 @!p0 $0x1  }
0x9e: {  	_ =	swait.ge @!p0 [sflag:s0], s1  }
0x9f: {  	s1 =	ssub.s32 @!p0 $0x0, s1;
	[sflag:s0] =	ssyncset.done @!p0 $0x0  }
0xa0: {  	[sflag:s0] =	ssyncadd.s32 @!p0 s1  }
0xa1: {  	[bflag:$0x3] =	sbarrier.arrive $0xFFFF  }
0xa2: {  	_ =	shalt  }

</sc_bundles>
